<compile_context>
chip_gen: v7x
topology: tpu7x:2x2x1
jax: 0.10.2.dev20260603
libtpu: 0.0.44.dev20260713+nightly
codegen_flags: <defaults>
</compile_context>

<pallas_src>
import functools

import jax
import jax.numpy as jnp
from jax import lax
from jax.experimental import pallas as pl
from jax.experimental.pallas import tpu as pltpu
from jax.experimental.pallas import tpu_sc as plsc

BATCH = 16384
VOCAB = 101
EMBED = 128
NC = 2
NS = 16
NW = NC * NS
B_PER_W = BATCH // NW
CHUNK = 64
NCHUNK = B_PER_W // CHUNK

_mesh = plsc.VectorSubcoreMesh(core_axis_name="c", subcore_axis_name="s")


@functools.partial(
    pl.kernel,
    mesh=_mesh,
    out_type=jax.ShapeDtypeStruct((NW * NCHUNK, CHUNK, EMBED), jnp.float32),
    scratch_types=[
        pltpu.VMEM((B_PER_W,), jnp.int32),
        pltpu.VMEM((B_PER_W, EMBED), jnp.float32),
        pltpu.VMEM_SHARED((VOCAB, EMBED), jnp.float32),
        pltpu.SemaphoreType.DMA,
        pltpu.SemaphoreType.DMA,
        pltpu.SemaphoreType.DMA,
        pltpu.SemaphoreType.DMA,
        pltpu.SemaphoreType.DMA,
        pltpu.SemaphoreType.DMA,
        pltpu.SemaphoreType.DMA,
        pltpu.SemaphoreType.DMA,
        pltpu.SemaphoreType.DMA,
        pltpu.SemaphoreType.DMA,
    ],
)
def _gather_kernel(idx_hbm, table_hbm, out_hbm, idx_v, rows_v, table_sh,
                   g0, g1, g2, g3, g4, g5, g6, g7, wsem, isem):
    sid = lax.axis_index("s")
    wid = sid * NC + lax.axis_index("c")
    gsems = (g0, g1, g2, g3, g4, g5, g6, g7)
    istart = pl.multiple_of(wid * B_PER_W, B_PER_W)
    idx_copy = pltpu.async_copy(idx_hbm.at[pl.ds(istart, B_PER_W)], idx_v, isem)
    @pl.when(sid < 12)
    def _():
        start = pl.multiple_of(sid * 8, 8)
        pltpu.sync_copy(
            table_hbm.at[pl.ds(start, 8)], table_sh.at[pl.ds(start, 8)]
        )

    @pl.when(sid == 12)
    def _():
        pltpu.sync_copy(
            table_hbm.at[pl.ds(96, VOCAB - 96)],
            table_sh.at[pl.ds(96, VOCAB - 96)],
        )

    plsc.subcore_barrier()
    idx_copy.wait()
    copies = [
        pltpu.async_copy(
            table_sh.at[idx_v.at[pl.ds(j * CHUNK, CHUNK)]],
            rows_v.at[pl.ds(j * CHUNK, CHUNK)],
            gsems[j],
        )
        for j in range(NCHUNK)
    ]
    writes = []
    for j in range(NCHUNK):
        copies[j].wait()
        writes.append(
            pltpu.async_copy(
                rows_v.at[pl.ds(j * CHUNK, CHUNK)],
                out_hbm.at[wid * NCHUNK + j],
                wsem,
            )
        )
    for w in writes:
        w.wait()


def kernel(indices, table):
    idx = indices.astype(jnp.int32)
    out = _gather_kernel(idx, table)
    int_embeds = out.reshape(BATCH, 1, EMBED)
    mask = jnp.ones((BATCH, 1), dtype=jnp.float32)
    return (int_embeds, mask)

# --- scband reference (transcript-rebuilt; emitter-appended) ---
"""Pipeline reference for scband-list-conditioner-55903294324942 (READ-ONLY COPY).

The authoritative reference and input builder live on the scoring server;
editing this copy changes nothing except your own understanding.
"""

import jax, jax.numpy as jnp
import numpy as np

BATCH = 16384
NUM_OPTIONS = 100
VOCAB = NUM_OPTIONS + 1  # options plus the 'unknown' slot at index 0
EMBED_DIM = 128


def setup_inputs(seed: int = 0) -> dict:
    key = jax.random.key(seed)
    k1, k2 = jax.random.split(key)
    # 'texts' in the torch module are mapped to integer ids in [0, VOCAB);
    # we model the post-lookup-index tensor directly.
    indices = jax.random.randint(k1, (BATCH,), 0, VOCAB, dtype=jnp.int64)
    # learned embedding table: nn.Embedding(len(options)+1, output_dim)
    table = jax.random.normal(k2, (VOCAB, EMBED_DIM), dtype=jnp.float32)
    return {"indices": indices, "table": table}


def reference(indices, table):
    # embedder(ints) -> gather rows from the embedding table
    int_embeds = jnp.take(table, indices, axis=0)  # [B, D]
    int_embeds = int_embeds[:, None, :]            # unsqueeze(1) -> [B, 1, D]
    mask = jnp.ones((int_embeds.shape[0], 1), dtype=jnp.float32)
    return (int_embeds, mask)

if __name__ == "__main__":
    import jax
    _d = setup_inputs()
    print(jax.jit(kernel)(*tuple(_d.values())))

</pallas_src>

<mosaic_0001>
#map = affine_map<(d0, d1) -> (0)>
#map1 = affine_map<(d0, d1) -> (0, 0)>
#map2 = affine_map<(d0, d1) -> (0, 0, 0)>
module attributes {stable_mosaic.version = 14 : i64} {
  func.func @_gather_kernel(%arg0: i32, %arg1: i32, %arg2: memref<16384xi32, #tpu.memory_space<hbm>>, %arg3: memref<101x128xf32, #tpu.memory_space<hbm>>, %arg4: memref<256x64x128xf32, #tpu.memory_space<hbm>>, %arg5: memref<512xi32, #tpu.memory_space<vmem>>, %arg6: memref<512x128xf32, #tpu.memory_space<vmem>>, %arg7: memref<101x128xf32, #tpu.memory_space<vmem_shared>>, %arg8: memref<!tpu.dma_semaphore, #tpu.memory_space<semaphore_mem>>, %arg9: memref<!tpu.dma_semaphore, #tpu.memory_space<semaphore_mem>>, %arg10: memref<!tpu.dma_semaphore, #tpu.memory_space<semaphore_mem>>, %arg11: memref<!tpu.dma_semaphore, #tpu.memory_space<semaphore_mem>>, %arg12: memref<!tpu.dma_semaphore, #tpu.memory_space<semaphore_mem>>, %arg13: memref<!tpu.dma_semaphore, #tpu.memory_space<semaphore_mem>>, %arg14: memref<!tpu.dma_semaphore, #tpu.memory_space<semaphore_mem>>, %arg15: memref<!tpu.dma_semaphore, #tpu.memory_space<semaphore_mem>>, %arg16: memref<!tpu.dma_semaphore, #tpu.memory_space<semaphore_mem>>, %arg17: memref<!tpu.dma_semaphore, #tpu.memory_space<semaphore_mem>>) attributes {dimension_semantics = [#tpu.dimension_semantics<core_parallel>, #tpu.dimension_semantics<subcore_parallel>], iteration_bounds = array<i64: 2, 16>, scalar_prefetch = 0 : i64, scratch_operands = 13 : i64, tpu.core_type = #tpu.core_type<sc_vector_subcore>, window_params = [{transform_indices = #map}, {transform_indices = #map1}, {transform_indices = #map2}]} {
    %mul3A = arith.constant 2 : i32
    %mul3A_0 = arith.muli %arg1, %mul3A : i32
    %add3A = arith.addi %mul3A_0, %arg0 : i32
    %mul3A_1 = arith.constant 512 : i32
    %mul3A_2 = arith.muli %add3A, %mul3A_1 : i32
    %multiple_of3A = tpu.assume_multiple %mul3A_2, 512 : i32
    %dma_start3A = tpu.memref_slice %arg2[%multiple_of3A] : memref<16384xi32, #tpu.memory_space<hbm>> -> memref<512xi32, #tpu.memory_space<hbm>>
    %dma_start3A_3 = tpu.memref_slice %arg2[%multiple_of3A] : memref<16384xi32, #tpu.memory_space<hbm>> -> memref<512xi32, #tpu.memory_space<hbm>>
    tpu.enqueue_dma source(%dma_start3A_3 : memref<512xi32, #tpu.memory_space<hbm>>) target(%arg5 : memref<512xi32, #tpu.memory_space<vmem>>) target_semaphore(%arg17 : memref<!tpu.dma_semaphore, #tpu.memory_space<semaphore_mem>>)
    %lt3A = arith.constant 12 : i32
    %lt3A_4 = arith.cmpi slt, %arg1, %lt3A : i32
    %convert_element_type3A = arith.extui %lt3A_4 : i1 to i32
    %cond3A = arith.constant 0 : i32
    %cond3A_5 = arith.cmpi ne, %convert_element_type3A, %cond3A : i32
    scf.if %cond3A_5 {
      %mul3A_395 = arith.constant 8 : i32
      %mul3A_396 = arith.muli %arg1, %mul3A_395 : i32
      %multiple_of3A_397 = tpu.assume_multiple %mul3A_396, 8 : i32
      "tpu.region"() ({
        %run_scoped3A = tpu.sem_alloc : memref<!tpu.dma_semaphore, #tpu.memory_space<semaphore_mem>>
        %dma_start3A_398 = arith.constant 0 : i32
        %dma_start3A_399 = tpu.memref_slice %arg7[%multiple_of3A_397, %dma_start3A_398] : memref<101x128xf32, #tpu.memory_space<vmem_shared>> -> memref<8x128xf32, #tpu.memory_space<vmem_shared>>
        %dma_start3A_400 = arith.constant 0 : i32
        %dma_start3A_401 = tpu.memref_slice %arg3[%multiple_of3A_397, %dma_start3A_400] : memref<101x128xf32, #tpu.memory_space<hbm>> -> memref<8x128xf32, #tpu.memory_space<hbm>>
        tpu.enqueue_dma source(%dma_start3A_401 : memref<8x128xf32, #tpu.memory_space<hbm>>) target(%dma_start3A_399 : memref<8x128xf32, #tpu.memory_space<vmem_shared>>) target_semaphore(%run_scoped3A : memref<!tpu.dma_semaphore, #tpu.memory_space<semaphore_mem>>)
        %dma_wait3A_402 = arith.constant 0 : i32
        %dma_wait3A_403 = tpu.memref_slice %arg7[%multiple_of3A_397, %dma_wait3A_402] : memref<101x128xf32, #tpu.memory_space<vmem_shared>> -> memref<8x128xf32, #tpu.memory_space<vmem_shared>>
        %dma_wait3A_404 = arith.constant 0 : i32
        %dma_wait3A_405 = tpu.memref_slice %arg3[%multiple_of3A_397, %dma_wait3A_404] : memref<101x128xf32, #tpu.memory_space<hbm>> -> memref<8x128xf32, #tpu.memory_space<hbm>>
        tpu.wait_dma2 semaphore(%run_scoped3A : memref<!tpu.dma_semaphore, #tpu.memory_space<semaphore_mem>>) src(%dma_wait3A_405 : memref<8x128xf32, #tpu.memory_space<hbm>>) dst(%dma_wait3A_403 : memref<8x128xf32, #tpu.memory_space<vmem_shared>>)
        tpu.yield
      }) : () -> ()
    } else {
    }
    %eq3A = arith.constant 12 : i32
    %eq3A_6 = arith.cmpi eq, %arg1, %eq3A : i32
    %convert_element_type3A_7 = arith.extui %eq3A_6 : i1 to i32
    %cond3A_8 = arith.constant 0 : i32
    %cond3A_9 = arith.cmpi ne, %convert_element_type3A_7, %cond3A_8 : i32
    scf.if %cond3A_9 {
      "tpu.region"() ({
        %run_scoped3A = tpu.sem_alloc : memref<!tpu.dma_semaphore, #tpu.memory_space<semaphore_mem>>
        %dma_start3A_395 = arith.constant 96 : i32
        %dma_start3A_396 = arith.constant 0 : i32
        %dma_start3A_397 = tpu.memref_slice %arg7[%dma_start3A_395, %dma_start3A_396] : memref<101x128xf32, #tpu.memory_space<vmem_shared>> -> memref<5x128xf32, #tpu.memory_space<vmem_shared>>
        %dma_start3A_398 = arith.constant 96 : i32
        %dma_start3A_399 = arith.constant 0 : i32
        %dma_start3A_400 = tpu.memref_slice %arg3[%dma_start3A_398, %dma_start3A_399] : memref<101x128xf32, #tpu.memory_space<hbm>> -> memref<5x128xf32, #tpu.memory_space<hbm>>
        tpu.enqueue_dma source(%dma_start3A_400 : memref<5x128xf32, #tpu.memory_space<hbm>>) target(%dma_start3A_397 : memref<5x128xf32, #tpu.memory_space<vmem_shared>>) target_semaphore(%run_scoped3A : memref<!tpu.dma_semaphore, #tpu.memory_space<semaphore_mem>>)
        %dma_wait3A_401 = arith.constant 96 : i32
        %dma_wait3A_402 = arith.constant 0 : i32
        %dma_wait3A_403 = tpu.memref_slice %arg7[%dma_wait3A_401, %dma_wait3A_402] : memref<101x128xf32, #tpu.memory_space<vmem_shared>> -> memref<5x128xf32, #tpu.memory_space<vmem_shared>>
        %dma_wait3A_404 = arith.constant 96 : i32
        %dma_wait3A_405 = arith.constant 0 : i32
        %dma_wait3A_406 = tpu.memref_slice %arg3[%dma_wait3A_404, %dma_wait3A_405] : memref<101x128xf32, #tpu.memory_space<hbm>> -> memref<5x128xf32, #tpu.memory_space<hbm>>
        tpu.wait_dma2 semaphore(%run_scoped3A : memref<!tpu.dma_semaphore, #tpu.memory_space<semaphore_mem>>) src(%dma_wait3A_406 : memref<5x128xf32, #tpu.memory_space<hbm>>) dst(%dma_wait3A_403 : memref<5x128xf32, #tpu.memory_space<vmem_shared>>)
        tpu.yield
      }) : () -> ()
    } else {
    }
    %barrier3A = arith.constant 0 : index
    tpu.barrier barrier_id(%barrier3A)
    %dma_wait3A = tpu.memref_slice %arg2[%multiple_of3A] : memref<16384xi32, #tpu.memory_space<hbm>> -> memref<512xi32, #tpu.memory_space<hbm>>
    %dma_wait3A_10 = tpu.memref_slice %arg2[%multiple_of3A] : memref<16384xi32, #tpu.memory_space<hbm>> -> memref<512xi32, #tpu.memory_space<hbm>>
    tpu.wait_dma2 semaphore(%arg17 : memref<!tpu.dma_semaphore, #tpu.memory_space<semaphore_mem>>) src(%dma_wait3A_10 : memref<512xi32, #tpu.memory_space<hbm>>) dst(%arg5 : memref<512xi32, #tpu.memory_space<vmem>>)
    %dma_start3A_11 = arith.constant 0 : i32
    %dma_start3A_12 = arith.constant 0 : i32
    %dma_start3A_13 = tpu.memref_slice %arg6[%dma_start3A_11, %dma_start3A_12] : memref<512x128xf32, #tpu.memory_space<vmem>> -> memref<64x128xf32, #tpu.memory_space<vmem>>
    %dma_start3A_14 = arith.constant 0 : i32
    %dma_start3A_15 = tpu.memref_slice %arg5[%dma_start3A_14] : memref<512xi32, #tpu.memory_space<vmem>> -> memref<64xi32, #tpu.memory_space<vmem>>
    %dma_start3A_16 = arith.constant 0 : i32
    %dma_start3A_17 = arith.constant 0 : i32
    %dma_start3A_18 = tpu.memref_slice %arg7[%dma_start3A_16, %dma_start3A_17] : memref<101x128xf32, #tpu.memory_space<vmem_shared>> -> memref<101x128xf32, #tpu.memory_space<vmem_shared>>
    tpu.enqueue_indirect_dma source(%dma_start3A_18 : memref<101x128xf32, #tpu.memory_space<vmem_shared>>) target(%dma_start3A_13 : memref<64x128xf32, #tpu.memory_space<vmem>>) offsets(%dma_start3A_15 : memref<64xi32, #tpu.memory_space<vmem>>) semaphore(%arg8 : memref<!tpu.dma_semaphore, #tpu.memory_space<semaphore_mem>>)
    %dma_start3A_19 = arith.constant 64 : i32
    %dma_start3A_20 = arith.constant 0 : i32
    %dma_start3A_21 = tpu.memref_slice %arg6[%dma_start3A_19, %dma_start3A_20] : memref<512x128xf32, #tpu.memory_space<vmem>> -> memref<64x128xf32, #tpu.memory_space<vmem>>
    %dma_start3A_22 = arith.constant 64 : i32
    %dma_start3A_23 = tpu.memref_slice %arg5[%dma_start3A_22] : memref<512xi32, #tpu.memory_space<vmem>> -> memref<64xi32, #tpu.memory_space<vmem>>
    %dma_start3A_24 = arith.constant 0 : i32
    %dma_start3A_25 = arith.constant 0 : i32
    %dma_start3A_26 = tpu.memref_slice %arg7[%dma_start3A_24, %dma_start3A_25] : memref<101x128xf32, #tpu.memory_space<vmem_shared>> -> memref<101x128xf32, #tpu.memory_space<vmem_shared>>
    tpu.enqueue_indirect_dma source(%dma_start3A_26 : memref<101x128xf32, #tpu.memory_space<vmem_shared>>) target(%dma_start3A_21 : memref<64x128xf32, #tpu.memory_space<vmem>>) offsets(%dma_start3A_23 : memref<64xi32, #tpu.memory_space<vmem>>) semaphore(%arg9 : memref<!tpu.dma_semaphore, #tpu.memory_space<semaphore_mem>>)
    %dma_start3A_27 = arith.constant 128 : i32
    %dma_start3A_28 = arith.constant 0 : i32
    %dma_start3A_29 = tpu.memref_slice %arg6[%dma_start3A_27, %dma_start3A_28] : memref<512x128xf32, #tpu.memory_space<vmem>> -> memref<64x128xf32, #tpu.memory_space<vmem>>
    %dma_start3A_30 = arith.constant 128 : i32
    %dma_start3A_31 = tpu.memref_slice %arg5[%dma_start3A_30] : memref<512xi32, #tpu.memory_space<vmem>> -> memref<64xi32, #tpu.memory_space<vmem>>
    %dma_start3A_32 = arith.constant 0 : i32
    %dma_start3A_33 = arith.constant 0 : i32
    %dma_start3A_34 = tpu.memref_slice %arg7[%dma_start3A_32, %dma_start3A_33] : memref<101x128xf32, #tpu.memory_space<vmem_shared>> -> memref<101x128xf32, #tpu.memory_space<vmem_shared>>
    tpu.enqueue_indirect_dma source(%dma_start3A_34 : memref<101x128xf32, #tpu.memory_space<vmem_shared>>) target(%dma_start3A_29 : memref<64x128xf32, #tpu.memory_space<vmem>>) offsets(%dma_start3A_31 : memref<64xi32, #tpu.memory_space<vmem>>) semaphore(%arg10 : memref<!tpu.dma_semaphore, #tpu.memory_space<semaphore_mem>>)
    %dma_start3A_35 = arith.constant 192 : i32
    %dma_start3A_36 = arith.constant 0 : i32
    %dma_start3A_37 = tpu.memref_slice %arg6[%dma_start3A_35, %dma_start3A_36] : memref<512x128xf32, #tpu.memory_space<vmem>> -> memref<64x128xf32, #tpu.memory_space<vmem>>
    %dma_start3A_38 = arith.constant 192 : i32
    %dma_start3A_39 = tpu.memref_slice %arg5[%dma_start3A_38] : memref<512xi32, #tpu.memory_space<vmem>> -> memref<64xi32, #tpu.memory_space<vmem>>
    %dma_start3A_40 = arith.constant 0 : i32
    %dma_start3A_41 = arith.constant 0 : i32
    %dma_start3A_42 = tpu.memref_slice %arg7[%dma_start3A_40, %dma_start3A_41] : memref<101x128xf32, #tpu.memory_space<vmem_shared>> -> memref<101x128xf32, #tpu.memory_space<vmem_shared>>
    tpu.enqueue_indirect_dma source(%dma_start3A_42 : memref<101x128xf32, #tpu.memory_space<vmem_shared>>) target(%dma_start3A_37 : memref<64x128xf32, #tpu.memory_space<vmem>>) offsets(%dma_start3A_39 : memref<64xi32, #tpu.memory_space<vmem>>) semaphore(%arg11 : memref<!tpu.dma_semaphore, #tpu.memory_space<semaphore_mem>>)
    %dma_start3A_43 = arith.constant 256 : i32
    %dma_start3A_44 = arith.constant 0 : i32
    %dma_start3A_45 = tpu.memref_slice %arg6[%dma_start3A_43, %dma_start3A_44] : memref<512x128xf32, #tpu.memory_space<vmem>> -> memref<64x128xf32, #tpu.memory_space<vmem>>
    %dma_start3A_46 = arith.constant 256 : i32
    %dma_start3A_47 = tpu.memref_slice %arg5[%dma_start3A_46] : memref<512xi32, #tpu.memory_space<vmem>> -> memref<64xi32, #tpu.memory_space<vmem>>
    %dma_start3A_48 = arith.constant 0 : i32
    %dma_start3A_49 = arith.constant 0 : i32
    %dma_start3A_50 = tpu.memref_slice %arg7[%dma_start3A_48, %dma_start3A_49] : memref<101x128xf32, #tpu.memory_space<vmem_shared>> -> memref<101x128xf32, #tpu.memory_space<vmem_shared>>
    tpu.enqueue_indirect_dma source(%dma_start3A_50 : memref<101x128xf32, #tpu.memory_space<vmem_shared>>) target(%dma_start3A_45 : memref<64x128xf32, #tpu.memory_space<vmem>>) offsets(%dma_start3A_47 : memref<64xi32, #tpu.memory_space<vmem>>) semaphore(%arg12 : memref<!tpu.dma_semaphore, #tpu.memory_space<semaphore_mem>>)
    %dma_start3A_51 = arith.constant 320 : i32
    %dma_start3A_52 = arith.constant 0 : i32
    %dma_start3A_53 = tpu.memref_slice %arg6[%dma_start3A_51, %dma_start3A_52] : memref<512x128xf32, #tpu.memory_space<vmem>> -> memref<64x128xf32, #tpu.memory_space<vmem>>
    %dma_start3A_54 = arith.constant 320 : i32
    %dma_start3A_55 = tpu.memref_slice %arg5[%dma_start3A_54] : memref<512xi32, #tpu.memory_space<vmem>> -> memref<64xi32, #tpu.memory_space<vmem>>
    %dma_start3A_56 = arith.constant 0 : i32
    %dma_start3A_57 = arith.constant 0 : i32
    %dma_start3A_58 = tpu.memref_slice %arg7[%dma_start3A_56, %dma_start3A_57] : memref<101x128xf32, #tpu.memory_space<vmem_shared>> -> memref<101x128xf32, #tpu.memory_space<vmem_shared>>
    tpu.enqueue_indirect_dma source(%dma_start3A_58 : memref<101x128xf32, #tpu.memory_space<vmem_shared>>) target(%dma_start3A_53 : memref<64x128xf32, #tpu.memory_space<vmem>>) offsets(%dma_start3A_55 : memref<64xi32, #tpu.memory_space<vmem>>) semaphore(%arg13 : memref<!tpu.dma_semaphore, #tpu.memory_space<semaphore_mem>>)
    %dma_start3A_59 = arith.constant 384 : i32
    %dma_start3A_60 = arith.constant 0 : i32
    %dma_start3A_61 = tpu.memref_slice %arg6[%dma_start3A_59, %dma_start3A_60] : memref<512x128xf32, #tpu.memory_space<vmem>> -> memref<64x128xf32, #tpu.memory_space<vmem>>
    %dma_start3A_62 = arith.constant 384 : i32
    %dma_start3A_63 = tpu.memref_slice %arg5[%dma_start3A_62] : memref<512xi32, #tpu.memory_space<vmem>> -> memref<64xi32, #tpu.memory_space<vmem>>
    %dma_start3A_64 = arith.constant 0 : i32
    %dma_start3A_65 = arith.constant 0 : i32
    %dma_start3A_66 = tpu.memref_slice %arg7[%dma_start3A_64, %dma_start3A_65] : memref<101x128xf32, #tpu.memory_space<vmem_shared>> -> memref<101x128xf32, #tpu.memory_space<vmem_shared>>
    tpu.enqueue_indirect_dma source(%dma_start3A_66 : memref<101x128xf32, #tpu.memory_space<vmem_shared>>) target(%dma_start3A_61 : memref<64x128xf32, #tpu.memory_space<vmem>>) offsets(%dma_start3A_63 : memref<64xi32, #tpu.memory_space<vmem>>) semaphore(%arg14 : memref<!tpu.dma_semaphore, #tpu.memory_space<semaphore_mem>>)
    %dma_start3A_67 = arith.constant 448 : i32
    %dma_start3A_68 = arith.constant 0 : i32
    %dma_start3A_69 = tpu.memref_slice %arg6[%dma_start3A_67, %dma_start3A_68] : memref<512x128xf32, #tpu.memory_space<vmem>> -> memref<64x128xf32, #tpu.memory_space<vmem>>
    %dma_start3A_70 = arith.constant 448 : i32
    %dma_start3A_71 = tpu.memref_slice %arg5[%dma_start3A_70] : memref<512xi32, #tpu.memory_space<vmem>> -> memref<64xi32, #tpu.memory_space<vmem>>
    %dma_start3A_72 = arith.constant 0 : i32
    %dma_start3A_73 = arith.constant 0 : i32
    %dma_start3A_74 = tpu.memref_slice %arg7[%dma_start3A_72, %dma_start3A_73] : memref<101x128xf32, #tpu.memory_space<vmem_shared>> -> memref<101x128xf32, #tpu.memory_space<vmem_shared>>
    tpu.enqueue_indirect_dma source(%dma_start3A_74 : memref<101x128xf32, #tpu.memory_space<vmem_shared>>) target(%dma_start3A_69 : memref<64x128xf32, #tpu.memory_space<vmem>>) offsets(%dma_start3A_71 : memref<64xi32, #tpu.memory_space<vmem>>) semaphore(%arg15 : memref<!tpu.dma_semaphore, #tpu.memory_space<semaphore_mem>>)
    %dma_wait3A_75 = arith.constant 0 : i32
    %dma_wait3A_76 = arith.constant 0 : i32
    %dma_wait3A_77 = tpu.memref_slice %arg6[%dma_wait3A_75, %dma_wait3A_76] : memref<512x128xf32, #tpu.memory_space<vmem>> -> memref<64x128xf32, #tpu.memory_space<vmem>>
    %dma_wait3A_78 = arith.constant 0 : i32
    %dma_wait3A_79 = tpu.memref_slice %arg5[%dma_wait3A_78] : memref<512xi32, #tpu.memory_space<vmem>> -> memref<64xi32, #tpu.memory_space<vmem>>
    %dma_wait3A_80 = arith.constant 0 : i32
    %dma_wait3A_81 = arith.constant 0 : i32
    %dma_wait3A_82 = tpu.memref_slice %arg7[%dma_wait3A_80, %dma_wait3A_81] : memref<101x128xf32, #tpu.memory_space<vmem_shared>> -> memref<101x128xf32, #tpu.memory_space<vmem_shared>>
    tpu.wait_indirect_dma semaphore(%arg8 : memref<!tpu.dma_semaphore, #tpu.memory_space<semaphore_mem>>) src(%dma_wait3A_82 : memref<101x128xf32, #tpu.memory_space<vmem_shared>>) dst(%dma_wait3A_77 : memref<64x128xf32, #tpu.memory_space<vmem>>)
    %mul3A_83 = arith.constant 8 : i32
    %mul3A_84 = arith.muli %add3A, %mul3A_83 : i32
    %add3A_85 = arith.constant 0 : i32
    %add3A_86 = arith.addi %mul3A_84, %add3A_85 : i32
    %dma_start3A_87 = arith.constant 0 : i32
    %dma_start3A_88 = arith.constant 0 : i32
    %dma_start3A_89 = tpu.memref_slice %arg6[%dma_start3A_87, %dma_start3A_88] : memref<512x128xf32, #tpu.memory_space<vmem>> -> memref<64x128xf32, #tpu.memory_space<vmem>>
    %dma_start3A_90 = arith.constant 0 : i32
    %dma_start3A_91 = arith.constant 0 : i32
    %dma_start3A_92 = tpu.memref_slice %arg4[%add3A_86, %dma_start3A_90, %dma_start3A_91] : memref<256x64x128xf32, #tpu.memory_space<hbm>> -> memref<1x64x128xf32, #tpu.memory_space<hbm>>
    %dma_start3A_93 = tpu.memref_squeeze %dma_start3A_92 : memref<1x64x128xf32, #tpu.memory_space<hbm>> -> memref<64x128xf32, #tpu.memory_space<hbm>>
    %dma_start3A_94 = arith.constant 0 : i32
    %dma_start3A_95 = arith.constant 0 : i32
    %dma_start3A_96 = tpu.memref_slice %arg4[%add3A_86, %dma_start3A_94, %dma_start3A_95] : memref<256x64x128xf32, #tpu.memory_space<hbm>> -> memref<1x64x128xf32, #tpu.memory_space<hbm>>
    %dma_start3A_97 = tpu.memref_squeeze %dma_start3A_96 : memref<1x64x128xf32, #tpu.memory_space<hbm>> -> memref<64x128xf32, #tpu.memory_space<hbm>>
    %dma_start3A_98 = arith.constant 0 : i32
    %dma_start3A_99 = arith.constant 0 : i32
    %dma_start3A_100 = tpu.memref_slice %arg6[%dma_start3A_98, %dma_start3A_99] : memref<512x128xf32, #tpu.memory_space<vmem>> -> memref<64x128xf32, #tpu.memory_space<vmem>>
    tpu.enqueue_dma source(%dma_start3A_100 : memref<64x128xf32, #tpu.memory_space<vmem>>) target(%dma_start3A_97 : memref<64x128xf32, #tpu.memory_space<hbm>>) target_semaphore(%arg16 : memref<!tpu.dma_semaphore, #tpu.memory_space<semaphore_mem>>)
    %dma_wait3A_101 = arith.constant 64 : i32
    %dma_wait3A_102 = arith.constant 0 : i32
    %dma_wait3A_103 = tpu.memref_slice %arg6[%dma_wait3A_101, %dma_wait3A_102] : memref<512x128xf32, #tpu.memory_space<vmem>> -> memref<64x128xf32, #tpu.memory_space<vmem>>
    %dma_wait3A_104 = arith.constant 64 : i32
    %dma_wait3A_105 = tpu.memref_slice %arg5[%dma_wait3A_104] : memref<512xi32, #tpu.memory_space<vmem>> -> memref<64xi32, #tpu.memory_space<vmem>>
    %dma_wait3A_106 = arith.constant 0 : i32
    %dma_wait3A_107 = arith.constant 0 : i32
    %dma_wait3A_108 = tpu.memref_slice %arg7[%dma_wait3A_106, %dma_wait3A_107] : memref<101x128xf32, #tpu.memory_space<vmem_shared>> -> memref<101x128xf32, #tpu.memory_space<vmem_shared>>
    tpu.wait_indirect_dma semaphore(%arg9 : memref<!tpu.dma_semaphore, #tpu.memory_space<semaphore_mem>>) src(%dma_wait3A_108 : memref<101x128xf32, #tpu.memory_space<vmem_shared>>) dst(%dma_wait3A_103 : memref<64x128xf32, #tpu.memory_space<vmem>>)
    %mul3A_109 = arith.constant 8 : i32
    %mul3A_110 = arith.muli %add3A, %mul3A_109 : i32
    %add3A_111 = arith.constant 1 : i32
    %add3A_112 = arith.addi %mul3A_110, %add3A_111 : i32
    %dma_start3A_113 = arith.constant 64 : i32
    %dma_start3A_114 = arith.constant 0 : i32
    %dma_start3A_115 = tpu.memref_slice %arg6[%dma_start3A_113, %dma_start3A_114] : memref<512x128xf32, #tpu.memory_space<vmem>> -> memref<64x128xf32, #tpu.memory_space<vmem>>
    %dma_start3A_116 = arith.constant 0 : i32
    %dma_start3A_117 = arith.constant 0 : i32
    %dma_start3A_118 = tpu.memref_slice %arg4[%add3A_112, %dma_start3A_116, %dma_start3A_117] : memref<256x64x128xf32, #tpu.memory_space<hbm>> -> memref<1x64x128xf32, #tpu.memory_space<hbm>>
    %dma_start3A_119 = tpu.memref_squeeze %dma_start3A_118 : memref<1x64x128xf32, #tpu.memory_space<hbm>> -> memref<64x128xf32, #tpu.memory_space<hbm>>
    %dma_start3A_120 = arith.constant 0 : i32
    %dma_start3A_121 = arith.constant 0 : i32
    %dma_start3A_122 = tpu.memref_slice %arg4[%add3A_112, %dma_start3A_120, %dma_start3A_121] : memref<256x64x128xf32, #tpu.memory_space<hbm>> -> memref<1x64x128xf32, #tpu.memory_space<hbm>>
    %dma_start3A_123 = tpu.memref_squeeze %dma_start3A_122 : memref<1x64x128xf32, #tpu.memory_space<hbm>> -> memref<64x128xf32, #tpu.memory_space<hbm>>
    %dma_start3A_124 = arith.constant 64 : i32
    %dma_start3A_125 = arith.constant 0 : i32
    %dma_start3A_126 = tpu.memref_slice %arg6[%dma_start3A_124, %dma_start3A_125] : memref<512x128xf32, #tpu.memory_space<vmem>> -> memref<64x128xf32, #tpu.memory_space<vmem>>
    tpu.enqueue_dma source(%dma_start3A_126 : memref<64x128xf32, #tpu.memory_space<vmem>>) target(%dma_start3A_123 : memref<64x128xf32, #tpu.memory_space<hbm>>) target_semaphore(%arg16 : memref<!tpu.dma_semaphore, #tpu.memory_space<semaphore_mem>>)
    %dma_wait3A_127 = arith.constant 128 : i32
    %dma_wait3A_128 = arith.constant 0 : i32
    %dma_wait3A_129 = tpu.memref_slice %arg6[%dma_wait3A_127, %dma_wait3A_128] : memref<512x128xf32, #tpu.memory_space<vmem>> -> memref<64x128xf32, #tpu.memory_space<vmem>>
    %dma_wait3A_130 = arith.constant 128 : i32
    %dma_wait3A_131 = tpu.memref_slice %arg5[%dma_wait3A_130] : memref<512xi32, #tpu.memory_space<vmem>> -> memref<64xi32, #tpu.memory_space<vmem>>
    %dma_wait3A_132 = arith.constant 0 : i32
    %dma_wait3A_133 = arith.constant 0 : i32
    %dma_wait3A_134 = tpu.memref_slice %arg7[%dma_wait3A_132, %dma_wait3A_133] : memref<101x128xf32, #tpu.memory_space<vmem_shared>> -> memref<101x128xf32, #tpu.memory_space<vmem_shared>>
    tpu.wait_indirect_dma semaphore(%arg10 : memref<!tpu.dma_semaphore, #tpu.memory_space<semaphore_mem>>) src(%dma_wait3A_134 : memref<101x128xf32, #tpu.memory_space<vmem_shared>>) dst(%dma_wait3A_129 : memref<64x128xf32, #tpu.memory_space<vmem>>)
    %mul3A_135 = arith.constant 8 : i32
    %mul3A_136 = arith.muli %add3A, %mul3A_135 : i32
    %add3A_137 = arith.constant 2 : i32
    %add3A_138 = arith.addi %mul3A_136, %add3A_137 : i32
    %dma_start3A_139 = arith.constant 128 : i32
    %dma_start3A_140 = arith.constant 0 : i32
    %dma_start3A_141 = tpu.memref_slice %arg6[%dma_start3A_139, %dma_start3A_140] : memref<512x128xf32, #tpu.memory_space<vmem>> -> memref<64x128xf32, #tpu.memory_space<vmem>>
    %dma_start3A_142 = arith.constant 0 : i32
    %dma_start3A_143 = arith.constant 0 : i32
    %dma_start3A_144 = tpu.memref_slice %arg4[%add3A_138, %dma_start3A_142, %dma_start3A_143] : memref<256x64x128xf32, #tpu.memory_space<hbm>> -> memref<1x64x128xf32, #tpu.memory_space<hbm>>
    %dma_start3A_145 = tpu.memref_squeeze %dma_start3A_144 : memref<1x64x128xf32, #tpu.memory_space<hbm>> -> memref<64x128xf32, #tpu.memory_space<hbm>>
    %dma_start3A_146 = arith.constant 0 : i32
    %dma_start3A_147 = arith.constant 0 : i32
    %dma_start3A_148 = tpu.memref_slice %arg4[%add3A_138, %dma_start3A_146, %dma_start3A_147] : memref<256x64x128xf32, #tpu.memory_space<hbm>> -> memref<1x64x128xf32, #tpu.memory_space<hbm>>
    %dma_start3A_149 = tpu.memref_squeeze %dma_start3A_148 : memref<1x64x128xf32, #tpu.memory_space<hbm>> -> memref<64x128xf32, #tpu.memory_space<hbm>>
    %dma_start3A_150 = arith.constant 128 : i32
    %dma_start3A_151 = arith.constant 0 : i32
    %dma_start3A_152 = tpu.memref_slice %arg6[%dma_start3A_150, %dma_start3A_151] : memref<512x128xf32, #tpu.memory_space<vmem>> -> memref<64x128xf32, #tpu.memory_space<vmem>>
    tpu.enqueue_dma source(%dma_start3A_152 : memref<64x128xf32, #tpu.memory_space<vmem>>) target(%dma_start3A_149 : memref<64x128xf32, #tpu.memory_space<hbm>>) target_semaphore(%arg16 : memref<!tpu.dma_semaphore, #tpu.memory_space<semaphore_mem>>)
    %dma_wait3A_153 = arith.constant 192 : i32
    %dma_wait3A_154 = arith.constant 0 : i32
    %dma_wait3A_155 = tpu.memref_slice %arg6[%dma_wait3A_153, %dma_wait3A_154] : memref<512x128xf32, #tpu.memory_space<vmem>> -> memref<64x128xf32, #tpu.memory_space<vmem>>
    %dma_wait3A_156 = arith.constant 192 : i32
    %dma_wait3A_157 = tpu.memref_slice %arg5[%dma_wait3A_156] : memref<512xi32, #tpu.memory_space<vmem>> -> memref<64xi32, #tpu.memory_space<vmem>>
    %dma_wait3A_158 = arith.constant 0 : i32
    %dma_wait3A_159 = arith.constant 0 : i32
    %dma_wait3A_160 = tpu.memref_slice %arg7[%dma_wait3A_158, %dma_wait3A_159] : memref<101x128xf32, #tpu.memory_space<vmem_shared>> -> memref<101x128xf32, #tpu.memory_space<vmem_shared>>
    tpu.wait_indirect_dma semaphore(%arg11 : memref<!tpu.dma_semaphore, #tpu.memory_space<semaphore_mem>>) src(%dma_wait3A_160 : memref<101x128xf32, #tpu.memory_space<vmem_shared>>) dst(%dma_wait3A_155 : memref<64x128xf32, #tpu.memory_space<vmem>>)
    %mul3A_161 = arith.constant 8 : i32
    %mul3A_162 = arith.muli %add3A, %mul3A_161 : i32
    %add3A_163 = arith.constant 3 : i32
    %add3A_164 = arith.addi %mul3A_162, %add3A_163 : i32
    %dma_start3A_165 = arith.constant 192 : i32
    %dma_start3A_166 = arith.constant 0 : i32
    %dma_start3A_167 = tpu.memref_slice %arg6[%dma_start3A_165, %dma_start3A_166] : memref<512x128xf32, #tpu.memory_space<vmem>> -> memref<64x128xf32, #tpu.memory_space<vmem>>
    %dma_start3A_168 = arith.constant 0 : i32
    %dma_start3A_169 = arith.constant 0 : i32
    %dma_start3A_170 = tpu.memref_slice %arg4[%add3A_164, %dma_start3A_168, %dma_start3A_169] : memref<256x64x128xf32, #tpu.memory_space<hbm>> -> memref<1x64x128xf32, #tpu.memory_space<hbm>>
    %dma_start3A_171 = tpu.memref_squeeze %dma_start3A_170 : memref<1x64x128xf32, #tpu.memory_space<hbm>> -> memref<64x128xf32, #tpu.memory_space<hbm>>
    %dma_start3A_172 = arith.constant 0 : i32
    %dma_start3A_173 = arith.constant 0 : i32
    %dma_start3A_174 = tpu.memref_slice %arg4[%add3A_164, %dma_start3A_172, %dma_start3A_173] : memref<256x64x128xf32, #tpu.memory_space<hbm>> -> memref<1x64x128xf32, #tpu.memory_space<hbm>>
    %dma_start3A_175 = tpu.memref_squeeze %dma_start3A_174 : memref<1x64x128xf32, #tpu.memory_space<hbm>> -> memref<64x128xf32, #tpu.memory_space<hbm>>
    %dma_start3A_176 = arith.constant 192 : i32
    %dma_start3A_177 = arith.constant 0 : i32
    %dma_start3A_178 = tpu.memref_slice %arg6[%dma_start3A_176, %dma_start3A_177] : memref<512x128xf32, #tpu.memory_space<vmem>> -> memref<64x128xf32, #tpu.memory_space<vmem>>
    tpu.enqueue_dma source(%dma_start3A_178 : memref<64x128xf32, #tpu.memory_space<vmem>>) target(%dma_start3A_175 : memref<64x128xf32, #tpu.memory_space<hbm>>) target_semaphore(%arg16 : memref<!tpu.dma_semaphore, #tpu.memory_space<semaphore_mem>>)
    %dma_wait3A_179 = arith.constant 256 : i32
    %dma_wait3A_180 = arith.constant 0 : i32
    %dma_wait3A_181 = tpu.memref_slice %arg6[%dma_wait3A_179, %dma_wait3A_180] : memref<512x128xf32, #tpu.memory_space<vmem>> -> memref<64x128xf32, #tpu.memory_space<vmem>>
    %dma_wait3A_182 = arith.constant 256 : i32
    %dma_wait3A_183 = tpu.memref_slice %arg5[%dma_wait3A_182] : memref<512xi32, #tpu.memory_space<vmem>> -> memref<64xi32, #tpu.memory_space<vmem>>
    %dma_wait3A_184 = arith.constant 0 : i32
    %dma_wait3A_185 = arith.constant 0 : i32
    %dma_wait3A_186 = tpu.memref_slice %arg7[%dma_wait3A_184, %dma_wait3A_185] : memref<101x128xf32, #tpu.memory_space<vmem_shared>> -> memref<101x128xf32, #tpu.memory_space<vmem_shared>>
    tpu.wait_indirect_dma semaphore(%arg12 : memref<!tpu.dma_semaphore, #tpu.memory_space<semaphore_mem>>) src(%dma_wait3A_186 : memref<101x128xf32, #tpu.memory_space<vmem_shared>>) dst(%dma_wait3A_181 : memref<64x128xf32, #tpu.memory_space<vmem>>)
    %mul3A_187 = arith.constant 8 : i32
    %mul3A_188 = arith.muli %add3A, %mul3A_187 : i32
    %add3A_189 = arith.constant 4 : i32
    %add3A_190 = arith.addi %mul3A_188, %add3A_189 : i32
    %dma_start3A_191 = arith.constant 256 : i32
    %dma_start3A_192 = arith.constant 0 : i32
    %dma_start3A_193 = tpu.memref_slice %arg6[%dma_start3A_191, %dma_start3A_192] : memref<512x128xf32, #tpu.memory_space<vmem>> -> memref<64x128xf32, #tpu.memory_space<vmem>>
    %dma_start3A_194 = arith.constant 0 : i32
    %dma_start3A_195 = arith.constant 0 : i32
    %dma_start3A_196 = tpu.memref_slice %arg4[%add3A_190, %dma_start3A_194, %dma_start3A_195] : memref<256x64x128xf32, #tpu.memory_space<hbm>> -> memref<1x64x128xf32, #tpu.memory_space<hbm>>
    %dma_start3A_197 = tpu.memref_squeeze %dma_start3A_196 : memref<1x64x128xf32, #tpu.memory_space<hbm>> -> memref<64x128xf32, #tpu.memory_space<hbm>>
    %dma_start3A_198 = arith.constant 0 : i32
    %dma_start3A_199 = arith.constant 0 : i32
    %dma_start3A_200 = tpu.memref_slice %arg4[%add3A_190, %dma_start3A_198, %dma_start3A_199] : memref<256x64x128xf32, #tpu.memory_space<hbm>> -> memref<1x64x128xf32, #tpu.memory_space<hbm>>
    %dma_start3A_201 = tpu.memref_squeeze %dma_start3A_200 : memref<1x64x128xf32, #tpu.memory_space<hbm>> -> memref<64x128xf32, #tpu.memory_space<hbm>>
    %dma_start3A_202 = arith.constant 256 : i32
    %dma_start3A_203 = arith.constant 0 : i32
    %dma_start3A_204 = tpu.memref_slice %arg6[%dma_start3A_202, %dma_start3A_203] : memref<512x128xf32, #tpu.memory_space<vmem>> -> memref<64x128xf32, #tpu.memory_space<vmem>>
    tpu.enqueue_dma source(%dma_start3A_204 : memref<64x128xf32, #tpu.memory_space<vmem>>) target(%dma_start3A_201 : memref<64x128xf32, #tpu.memory_space<hbm>>) target_semaphore(%arg16 : memref<!tpu.dma_semaphore, #tpu.memory_space<semaphore_mem>>)
    %dma_wait3A_205 = arith.constant 320 : i32
    %dma_wait3A_206 = arith.constant 0 : i32
    %dma_wait3A_207 = tpu.memref_slice %arg6[%dma_wait3A_205, %dma_wait3A_206] : memref<512x128xf32, #tpu.memory_space<vmem>> -> memref<64x128xf32, #tpu.memory_space<vmem>>
    %dma_wait3A_208 = arith.constant 320 : i32
    %dma_wait3A_209 = tpu.memref_slice %arg5[%dma_wait3A_208] : memref<512xi32, #tpu.memory_space<vmem>> -> memref<64xi32, #tpu.memory_space<vmem>>
    %dma_wait3A_210 = arith.constant 0 : i32
    %dma_wait3A_211 = arith.constant 0 : i32
    %dma_wait3A_212 = tpu.memref_slice %arg7[%dma_wait3A_210, %dma_wait3A_211] : memref<101x128xf32, #tpu.memory_space<vmem_shared>> -> memref<101x128xf32, #tpu.memory_space<vmem_shared>>
    tpu.wait_indirect_dma semaphore(%arg13 : memref<!tpu.dma_semaphore, #tpu.memory_space<semaphore_mem>>) src(%dma_wait3A_212 : memref<101x128xf32, #tpu.memory_space<vmem_shared>>) dst(%dma_wait3A_207 : memref<64x128xf32, #tpu.memory_space<vmem>>)
    %mul3A_213 = arith.constant 8 : i32
    %mul3A_214 = arith.muli %add3A, %mul3A_213 : i32
    %add3A_215 = arith.constant 5 : i32
    %add3A_216 = arith.addi %mul3A_214, %add3A_215 : i32
    %dma_start3A_217 = arith.constant 320 : i32
    %dma_start3A_218 = arith.constant 0 : i32
    %dma_start3A_219 = tpu.memref_slice %arg6[%dma_start3A_217, %dma_start3A_218] : memref<512x128xf32, #tpu.memory_space<vmem>> -> memref<64x128xf32, #tpu.memory_space<vmem>>
    %dma_start3A_220 = arith.constant 0 : i32
    %dma_start3A_221 = arith.constant 0 : i32
    %dma_start3A_222 = tpu.memref_slice %arg4[%add3A_216, %dma_start3A_220, %dma_start3A_221] : memref<256x64x128xf32, #tpu.memory_space<hbm>> -> memref<1x64x128xf32, #tpu.memory_space<hbm>>
    %dma_start3A_223 = tpu.memref_squeeze %dma_start3A_222 : memref<1x64x128xf32, #tpu.memory_space<hbm>> -> memref<64x128xf32, #tpu.memory_space<hbm>>
    %dma_start3A_224 = arith.constant 0 : i32
    %dma_start3A_225 = arith.constant 0 : i32
    %dma_start3A_226 = tpu.memref_slice %arg4[%add3A_216, %dma_start3A_224, %dma_start3A_225] : memref<256x64x128xf32, #tpu.memory_space<hbm>> -> memref<1x64x128xf32, #tpu.memory_space<hbm>>
    %dma_start3A_227 = tpu.memref_squeeze %dma_start3A_226 : memref<1x64x128xf32, #tpu.memory_space<hbm>> -> memref<64x128xf32, #tpu.memory_space<hbm>>
    %dma_start3A_228 = arith.constant 320 : i32
    %dma_start3A_229 = arith.constant 0 : i32
    %dma_start3A_230 = tpu.memref_slice %arg6[%dma_start3A_228, %dma_start3A_229] : memref<512x128xf32, #tpu.memory_space<vmem>> -> memref<64x128xf32, #tpu.memory_space<vmem>>
    tpu.enqueue_dma source(%dma_start3A_230 : memref<64x128xf32, #tpu.memory_space<vmem>>) target(%dma_start3A_227 : memref<64x128xf32, #tpu.memory_space<hbm>>) target_semaphore(%arg16 : memref<!tpu.dma_semaphore, #tpu.memory_space<semaphore_mem>>)
    %dma_wait3A_231 = arith.constant 384 : i32
    %dma_wait3A_232 = arith.constant 0 : i32
    %dma_wait3A_233 = tpu.memref_slice %arg6[%dma_wait3A_231, %dma_wait3A_232] : memref<512x128xf32, #tpu.memory_space<vmem>> -> memref<64x128xf32, #tpu.memory_space<vmem>>
    %dma_wait3A_234 = arith.constant 384 : i32
    %dma_wait3A_235 = tpu.memref_slice %arg5[%dma_wait3A_234] : memref<512xi32, #tpu.memory_space<vmem>> -> memref<64xi32, #tpu.memory_space<vmem>>
    %dma_wait3A_236 = arith.constant 0 : i32
    %dma_wait3A_237 = arith.constant 0 : i32
    %dma_wait3A_238 = tpu.memref_slice %arg7[%dma_wait3A_236, %dma_wait3A_237] : memref<101x128xf32, #tpu.memory_space<vmem_shared>> -> memref<101x128xf32, #tpu.memory_space<vmem_shared>>
    tpu.wait_indirect_dma semaphore(%arg14 : memref<!tpu.dma_semaphore, #tpu.memory_space<semaphore_mem>>) src(%dma_wait3A_238 : memref<101x128xf32, #tpu.memory_space<vmem_shared>>) dst(%dma_wait3A_233 : memref<64x128xf32, #tpu.memory_space<vmem>>)
    %mul3A_239 = arith.constant 8 : i32
    %mul3A_240 = arith.muli %add3A, %mul3A_239 : i32
    %add3A_241 = arith.constant 6 : i32
    %add3A_242 = arith.addi %mul3A_240, %add3A_241 : i32
    %dma_start3A_243 = arith.constant 384 : i32
    %dma_start3A_244 = arith.constant 0 : i32
    %dma_start3A_245 = tpu.memref_slice %arg6[%dma_start3A_243, %dma_start3A_244] : memref<512x128xf32, #tpu.memory_space<vmem>> -> memref<64x128xf32, #tpu.memory_space<vmem>>
    %dma_start3A_246 = arith.constant 0 : i32
    %dma_start3A_247 = arith.constant 0 : i32
    %dma_start3A_248 = tpu.memref_slice %arg4[%add3A_242, %dma_start3A_246, %dma_start3A_247] : memref<256x64x128xf32, #tpu.memory_space<hbm>> -> memref<1x64x128xf32, #tpu.memory_space<hbm>>
    %dma_start3A_249 = tpu.memref_squeeze %dma_start3A_248 : memref<1x64x128xf32, #tpu.memory_space<hbm>> -> memref<64x128xf32, #tpu.memory_space<hbm>>
    %dma_start3A_250 = arith.constant 0 : i32
    %dma_start3A_251 = arith.constant 0 : i32
    %dma_start3A_252 = tpu.memref_slice %arg4[%add3A_242, %dma_start3A_250, %dma_start3A_251] : memref<256x64x128xf32, #tpu.memory_space<hbm>> -> memref<1x64x128xf32, #tpu.memory_space<hbm>>
    %dma_start3A_253 = tpu.memref_squeeze %dma_start3A_252 : memref<1x64x128xf32, #tpu.memory_space<hbm>> -> memref<64x128xf32, #tpu.memory_space<hbm>>
    %dma_start3A_254 = arith.constant 384 : i32
    %dma_start3A_255 = arith.constant 0 : i32
    %dma_start3A_256 = tpu.memref_slice %arg6[%dma_start3A_254, %dma_start3A_255] : memref<512x128xf32, #tpu.memory_space<vmem>> -> memref<64x128xf32, #tpu.memory_space<vmem>>
    tpu.enqueue_dma source(%dma_start3A_256 : memref<64x128xf32, #tpu.memory_space<vmem>>) target(%dma_start3A_253 : memref<64x128xf32, #tpu.memory_space<hbm>>) target_semaphore(%arg16 : memref<!tpu.dma_semaphore, #tpu.memory_space<semaphore_mem>>)
    %dma_wait3A_257 = arith.constant 448 : i32
    %dma_wait3A_258 = arith.constant 0 : i32
    %dma_wait3A_259 = tpu.memref_slice %arg6[%dma_wait3A_257, %dma_wait3A_258] : memref<512x128xf32, #tpu.memory_space<vmem>> -> memref<64x128xf32, #tpu.memory_space<vmem>>
    %dma_wait3A_260 = arith.constant 448 : i32
    %dma_wait3A_261 = tpu.memref_slice %arg5[%dma_wait3A_260] : memref<512xi32, #tpu.memory_space<vmem>> -> memref<64xi32, #tpu.memory_space<vmem>>
    %dma_wait3A_262 = arith.constant 0 : i32
    %dma_wait3A_263 = arith.constant 0 : i32
    %dma_wait3A_264 = tpu.memref_slice %arg7[%dma_wait3A_262, %dma_wait3A_263] : memref<101x128xf32, #tpu.memory_space<vmem_shared>> -> memref<101x128xf32, #tpu.memory_space<vmem_shared>>
    tpu.wait_indirect_dma semaphore(%arg15 : memref<!tpu.dma_semaphore, #tpu.memory_space<semaphore_mem>>) src(%dma_wait3A_264 : memref<101x128xf32, #tpu.memory_space<vmem_shared>>) dst(%dma_wait3A_259 : memref<64x128xf32, #tpu.memory_space<vmem>>)
    %mul3A_265 = arith.constant 8 : i32
    %mul3A_266 = arith.muli %add3A, %mul3A_265 : i32
    %add3A_267 = arith.constant 7 : i32
    %add3A_268 = arith.addi %mul3A_266, %add3A_267 : i32
    %dma_start3A_269 = arith.constant 448 : i32
    %dma_start3A_270 = arith.constant 0 : i32
    %dma_start3A_271 = tpu.memref_slice %arg6[%dma_start3A_269, %dma_start3A_270] : memref<512x128xf32, #tpu.memory_space<vmem>> -> memref<64x128xf32, #tpu.memory_space<vmem>>
    %dma_start3A_272 = arith.constant 0 : i32
    %dma_start3A_273 = arith.constant 0 : i32
    %dma_start3A_274 = tpu.memref_slice %arg4[%add3A_268, %dma_start3A_272, %dma_start3A_273] : memref<256x64x128xf32, #tpu.memory_space<hbm>> -> memref<1x64x128xf32, #tpu.memory_space<hbm>>
    %dma_start3A_275 = tpu.memref_squeeze %dma_start3A_274 : memref<1x64x128xf32, #tpu.memory_space<hbm>> -> memref<64x128xf32, #tpu.memory_space<hbm>>
    %dma_start3A_276 = arith.constant 0 : i32
    %dma_start3A_277 = arith.constant 0 : i32
    %dma_start3A_278 = tpu.memref_slice %arg4[%add3A_268, %dma_start3A_276, %dma_start3A_277] : memref<256x64x128xf32, #tpu.memory_space<hbm>> -> memref<1x64x128xf32, #tpu.memory_space<hbm>>
    %dma_start3A_279 = tpu.memref_squeeze %dma_start3A_278 : memref<1x64x128xf32, #tpu.memory_space<hbm>> -> memref<64x128xf32, #tpu.memory_space<hbm>>
    %dma_start3A_280 = arith.constant 448 : i32
    %dma_start3A_281 = arith.constant 0 : i32
    %dma_start3A_282 = tpu.memref_slice %arg6[%dma_start3A_280, %dma_start3A_281] : memref<512x128xf32, #tpu.memory_space<vmem>> -> memref<64x128xf32, #tpu.memory_space<vmem>>
    tpu.enqueue_dma source(%dma_start3A_282 : memref<64x128xf32, #tpu.memory_space<vmem>>) target(%dma_start3A_279 : memref<64x128xf32, #tpu.memory_space<hbm>>) target_semaphore(%arg16 : memref<!tpu.dma_semaphore, #tpu.memory_space<semaphore_mem>>)
    %dma_wait3A_283 = arith.constant 0 : i32
    %dma_wait3A_284 = arith.constant 0 : i32
    %dma_wait3A_285 = tpu.memref_slice %arg6[%dma_wait3A_283, %dma_wait3A_284] : memref<512x128xf32, #tpu.memory_space<vmem>> -> memref<64x128xf32, #tpu.memory_space<vmem>>
    %dma_wait3A_286 = arith.constant 0 : i32
    %dma_wait3A_287 = arith.constant 0 : i32
    %dma_wait3A_288 = tpu.memref_slice %arg4[%add3A_86, %dma_wait3A_286, %dma_wait3A_287] : memref<256x64x128xf32, #tpu.memory_space<hbm>> -> memref<1x64x128xf32, #tpu.memory_space<hbm>>
    %dma_wait3A_289 = tpu.memref_squeeze %dma_wait3A_288 : memref<1x64x128xf32, #tpu.memory_space<hbm>> -> memref<64x128xf32, #tpu.memory_space<hbm>>
    %dma_wait3A_290 = arith.constant 0 : i32
    %dma_wait3A_291 = arith.constant 0 : i32
    %dma_wait3A_292 = tpu.memref_slice %arg4[%add3A_86, %dma_wait3A_290, %dma_wait3A_291] : memref<256x64x128xf32, #tpu.memory_space<hbm>> -> memref<1x64x128xf32, #tpu.memory_space<hbm>>
    %dma_wait3A_293 = tpu.memref_squeeze %dma_wait3A_292 : memref<1x64x128xf32, #tpu.memory_space<hbm>> -> memref<64x128xf32, #tpu.memory_space<hbm>>
    %dma_wait3A_294 = arith.constant 0 : i32
    %dma_wait3A_295 = arith.constant 0 : i32
    %dma_wait3A_296 = tpu.memref_slice %arg6[%dma_wait3A_294, %dma_wait3A_295] : memref<512x128xf32, #tpu.memory_space<vmem>> -> memref<64x128xf32, #tpu.memory_space<vmem>>
    tpu.wait_dma2 semaphore(%arg16 : memref<!tpu.dma_semaphore, #tpu.memory_space<semaphore_mem>>) src(%dma_wait3A_296 : memref<64x128xf32, #tpu.memory_space<vmem>>) dst(%dma_wait3A_293 : memref<64x128xf32, #tpu.memory_space<hbm>>)
    %dma_wait3A_297 = arith.constant 64 : i32
    %dma_wait3A_298 = arith.constant 0 : i32
    %dma_wait3A_299 = tpu.memref_slice %arg6[%dma_wait3A_297, %dma_wait3A_298] : memref<512x128xf32, #tpu.memory_space<vmem>> -> memref<64x128xf32, #tpu.memory_space<vmem>>
    %dma_wait3A_300 = arith.constant 0 : i32
    %dma_wait3A_301 = arith.constant 0 : i32
    %dma_wait3A_302 = tpu.memref_slice %arg4[%add3A_112, %dma_wait3A_300, %dma_wait3A_301] : memref<256x64x128xf32, #tpu.memory_space<hbm>> -> memref<1x64x128xf32, #tpu.memory_space<hbm>>
    %dma_wait3A_303 = tpu.memref_squeeze %dma_wait3A_302 : memref<1x64x128xf32, #tpu.memory_space<hbm>> -> memref<64x128xf32, #tpu.memory_space<hbm>>
    %dma_wait3A_304 = arith.constant 0 : i32
    %dma_wait3A_305 = arith.constant 0 : i32
    %dma_wait3A_306 = tpu.memref_slice %arg4[%add3A_112, %dma_wait3A_304, %dma_wait3A_305] : memref<256x64x128xf32, #tpu.memory_space<hbm>> -> memref<1x64x128xf32, #tpu.memory_space<hbm>>
    %dma_wait3A_307 = tpu.memref_squeeze %dma_wait3A_306 : memref<1x64x128xf32, #tpu.memory_space<hbm>> -> memref<64x128xf32, #tpu.memory_space<hbm>>
    %dma_wait3A_308 = arith.constant 64 : i32
    %dma_wait3A_309 = arith.constant 0 : i32
    %dma_wait3A_310 = tpu.memref_slice %arg6[%dma_wait3A_308, %dma_wait3A_309] : memref<512x128xf32, #tpu.memory_space<vmem>> -> memref<64x128xf32, #tpu.memory_space<vmem>>
    tpu.wait_dma2 semaphore(%arg16 : memref<!tpu.dma_semaphore, #tpu.memory_space<semaphore_mem>>) src(%dma_wait3A_310 : memref<64x128xf32, #tpu.memory_space<vmem>>) dst(%dma_wait3A_307 : memref<64x128xf32, #tpu.memory_space<hbm>>)
    %dma_wait3A_311 = arith.constant 128 : i32
    %dma_wait3A_312 = arith.constant 0 : i32
    %dma_wait3A_313 = tpu.memref_slice %arg6[%dma_wait3A_311, %dma_wait3A_312] : memref<512x128xf32, #tpu.memory_space<vmem>> -> memref<64x128xf32, #tpu.memory_space<vmem>>
    %dma_wait3A_314 = arith.constant 0 : i32
    %dma_wait3A_315 = arith.constant 0 : i32
    %dma_wait3A_316 = tpu.memref_slice %arg4[%add3A_138, %dma_wait3A_314, %dma_wait3A_315] : memref<256x64x128xf32, #tpu.memory_space<hbm>> -> memref<1x64x128xf32, #tpu.memory_space<hbm>>
    %dma_wait3A_317 = tpu.memref_squeeze %dma_wait3A_316 : memref<1x64x128xf32, #tpu.memory_space<hbm>> -> memref<64x128xf32, #tpu.memory_space<hbm>>
    %dma_wait3A_318 = arith.constant 0 : i32
    %dma_wait3A_319 = arith.constant 0 : i32
    %dma_wait3A_320 = tpu.memref_slice %arg4[%add3A_138, %dma_wait3A_318, %dma_wait3A_319] : memref<256x64x128xf32, #tpu.memory_space<hbm>> -> memref<1x64x128xf32, #tpu.memory_space<hbm>>
    %dma_wait3A_321 = tpu.memref_squeeze %dma_wait3A_320 : memref<1x64x128xf32, #tpu.memory_space<hbm>> -> memref<64x128xf32, #tpu.memory_space<hbm>>
    %dma_wait3A_322 = arith.constant 128 : i32
    %dma_wait3A_323 = arith.constant 0 : i32
    %dma_wait3A_324 = tpu.memref_slice %arg6[%dma_wait3A_322, %dma_wait3A_323] : memref<512x128xf32, #tpu.memory_space<vmem>> -> memref<64x128xf32, #tpu.memory_space<vmem>>
    tpu.wait_dma2 semaphore(%arg16 : memref<!tpu.dma_semaphore, #tpu.memory_space<semaphore_mem>>) src(%dma_wait3A_324 : memref<64x128xf32, #tpu.memory_space<vmem>>) dst(%dma_wait3A_321 : memref<64x128xf32, #tpu.memory_space<hbm>>)
    %dma_wait3A_325 = arith.constant 192 : i32
    %dma_wait3A_326 = arith.constant 0 : i32
    %dma_wait3A_327 = tpu.memref_slice %arg6[%dma_wait3A_325, %dma_wait3A_326] : memref<512x128xf32, #tpu.memory_space<vmem>> -> memref<64x128xf32, #tpu.memory_space<vmem>>
    %dma_wait3A_328 = arith.constant 0 : i32
    %dma_wait3A_329 = arith.constant 0 : i32
    %dma_wait3A_330 = tpu.memref_slice %arg4[%add3A_164, %dma_wait3A_328, %dma_wait3A_329] : memref<256x64x128xf32, #tpu.memory_space<hbm>> -> memref<1x64x128xf32, #tpu.memory_space<hbm>>
    %dma_wait3A_331 = tpu.memref_squeeze %dma_wait3A_330 : memref<1x64x128xf32, #tpu.memory_space<hbm>> -> memref<64x128xf32, #tpu.memory_space<hbm>>
    %dma_wait3A_332 = arith.constant 0 : i32
    %dma_wait3A_333 = arith.constant 0 : i32
    %dma_wait3A_334 = tpu.memref_slice %arg4[%add3A_164, %dma_wait3A_332, %dma_wait3A_333] : memref<256x64x128xf32, #tpu.memory_space<hbm>> -> memref<1x64x128xf32, #tpu.memory_space<hbm>>
    %dma_wait3A_335 = tpu.memref_squeeze %dma_wait3A_334 : memref<1x64x128xf32, #tpu.memory_space<hbm>> -> memref<64x128xf32, #tpu.memory_space<hbm>>
    %dma_wait3A_336 = arith.constant 192 : i32
    %dma_wait3A_337 = arith.constant 0 : i32
    %dma_wait3A_338 = tpu.memref_slice %arg6[%dma_wait3A_336, %dma_wait3A_337] : memref<512x128xf32, #tpu.memory_space<vmem>> -> memref<64x128xf32, #tpu.memory_space<vmem>>
    tpu.wait_dma2 semaphore(%arg16 : memref<!tpu.dma_semaphore, #tpu.memory_space<semaphore_mem>>) src(%dma_wait3A_338 : memref<64x128xf32, #tpu.memory_space<vmem>>) dst(%dma_wait3A_335 : memref<64x128xf32, #tpu.memory_space<hbm>>)
    %dma_wait3A_339 = arith.constant 256 : i32
    %dma_wait3A_340 = arith.constant 0 : i32
    %dma_wait3A_341 = tpu.memref_slice %arg6[%dma_wait3A_339, %dma_wait3A_340] : memref<512x128xf32, #tpu.memory_space<vmem>> -> memref<64x128xf32, #tpu.memory_space<vmem>>
    %dma_wait3A_342 = arith.constant 0 : i32
    %dma_wait3A_343 = arith.constant 0 : i32
    %dma_wait3A_344 = tpu.memref_slice %arg4[%add3A_190, %dma_wait3A_342, %dma_wait3A_343] : memref<256x64x128xf32, #tpu.memory_space<hbm>> -> memref<1x64x128xf32, #tpu.memory_space<hbm>>
    %dma_wait3A_345 = tpu.memref_squeeze %dma_wait3A_344 : memref<1x64x128xf32, #tpu.memory_space<hbm>> -> memref<64x128xf32, #tpu.memory_space<hbm>>
    %dma_wait3A_346 = arith.constant 0 : i32
    %dma_wait3A_347 = arith.constant 0 : i32
    %dma_wait3A_348 = tpu.memref_slice %arg4[%add3A_190, %dma_wait3A_346, %dma_wait3A_347] : memref<256x64x128xf32, #tpu.memory_space<hbm>> -> memref<1x64x128xf32, #tpu.memory_space<hbm>>
    %dma_wait3A_349 = tpu.memref_squeeze %dma_wait3A_348 : memref<1x64x128xf32, #tpu.memory_space<hbm>> -> memref<64x128xf32, #tpu.memory_space<hbm>>
    %dma_wait3A_350 = arith.constant 256 : i32
    %dma_wait3A_351 = arith.constant 0 : i32
    %dma_wait3A_352 = tpu.memref_slice %arg6[%dma_wait3A_350, %dma_wait3A_351] : memref<512x128xf32, #tpu.memory_space<vmem>> -> memref<64x128xf32, #tpu.memory_space<vmem>>
    tpu.wait_dma2 semaphore(%arg16 : memref<!tpu.dma_semaphore, #tpu.memory_space<semaphore_mem>>) src(%dma_wait3A_352 : memref<64x128xf32, #tpu.memory_space<vmem>>) dst(%dma_wait3A_349 : memref<64x128xf32, #tpu.memory_space<hbm>>)
    %dma_wait3A_353 = arith.constant 320 : i32
    %dma_wait3A_354 = arith.constant 0 : i32
    %dma_wait3A_355 = tpu.memref_slice %arg6[%dma_wait3A_353, %dma_wait3A_354] : memref<512x128xf32, #tpu.memory_space<vmem>> -> memref<64x128xf32, #tpu.memory_space<vmem>>
    %dma_wait3A_356 = arith.constant 0 : i32
    %dma_wait3A_357 = arith.constant 0 : i32
    %dma_wait3A_358 = tpu.memref_slice %arg4[%add3A_216, %dma_wait3A_356, %dma_wait3A_357] : memref<256x64x128xf32, #tpu.memory_space<hbm>> -> memref<1x64x128xf32, #tpu.memory_space<hbm>>
    %dma_wait3A_359 = tpu.memref_squeeze %dma_wait3A_358 : memref<1x64x128xf32, #tpu.memory_space<hbm>> -> memref<64x128xf32, #tpu.memory_space<hbm>>
    %dma_wait3A_360 = arith.constant 0 : i32
    %dma_wait3A_361 = arith.constant 0 : i32
    %dma_wait3A_362 = tpu.memref_slice %arg4[%add3A_216, %dma_wait3A_360, %dma_wait3A_361] : memref<256x64x128xf32, #tpu.memory_space<hbm>> -> memref<1x64x128xf32, #tpu.memory_space<hbm>>
    %dma_wait3A_363 = tpu.memref_squeeze %dma_wait3A_362 : memref<1x64x128xf32, #tpu.memory_space<hbm>> -> memref<64x128xf32, #tpu.memory_space<hbm>>
    %dma_wait3A_364 = arith.constant 320 : i32
    %dma_wait3A_365 = arith.constant 0 : i32
    %dma_wait3A_366 = tpu.memref_slice %arg6[%dma_wait3A_364, %dma_wait3A_365] : memref<512x128xf32, #tpu.memory_space<vmem>> -> memref<64x128xf32, #tpu.memory_space<vmem>>
    tpu.wait_dma2 semaphore(%arg16 : memref<!tpu.dma_semaphore, #tpu.memory_space<semaphore_mem>>) src(%dma_wait3A_366 : memref<64x128xf32, #tpu.memory_space<vmem>>) dst(%dma_wait3A_363 : memref<64x128xf32, #tpu.memory_space<hbm>>)
    %dma_wait3A_367 = arith.constant 384 : i32
    %dma_wait3A_368 = arith.constant 0 : i32
    %dma_wait3A_369 = tpu.memref_slice %arg6[%dma_wait3A_367, %dma_wait3A_368] : memref<512x128xf32, #tpu.memory_space<vmem>> -> memref<64x128xf32, #tpu.memory_space<vmem>>
    %dma_wait3A_370 = arith.constant 0 : i32
    %dma_wait3A_371 = arith.constant 0 : i32
    %dma_wait3A_372 = tpu.memref_slice %arg4[%add3A_242, %dma_wait3A_370, %dma_wait3A_371] : memref<256x64x128xf32, #tpu.memory_space<hbm>> -> memref<1x64x128xf32, #tpu.memory_space<hbm>>
    %dma_wait3A_373 = tpu.memref_squeeze %dma_wait3A_372 : memref<1x64x128xf32, #tpu.memory_space<hbm>> -> memref<64x128xf32, #tpu.memory_space<hbm>>
    %dma_wait3A_374 = arith.constant 0 : i32
    %dma_wait3A_375 = arith.constant 0 : i32
    %dma_wait3A_376 = tpu.memref_slice %arg4[%add3A_242, %dma_wait3A_374, %dma_wait3A_375] : memref<256x64x128xf32, #tpu.memory_space<hbm>> -> memref<1x64x128xf32, #tpu.memory_space<hbm>>
    %dma_wait3A_377 = tpu.memref_squeeze %dma_wait3A_376 : memref<1x64x128xf32, #tpu.memory_space<hbm>> -> memref<64x128xf32, #tpu.memory_space<hbm>>
    %dma_wait3A_378 = arith.constant 384 : i32
    %dma_wait3A_379 = arith.constant 0 : i32
    %dma_wait3A_380 = tpu.memref_slice %arg6[%dma_wait3A_378, %dma_wait3A_379] : memref<512x128xf32, #tpu.memory_space<vmem>> -> memref<64x128xf32, #tpu.memory_space<vmem>>
    tpu.wait_dma2 semaphore(%arg16 : memref<!tpu.dma_semaphore, #tpu.memory_space<semaphore_mem>>) src(%dma_wait3A_380 : memref<64x128xf32, #tpu.memory_space<vmem>>) dst(%dma_wait3A_377 : memref<64x128xf32, #tpu.memory_space<hbm>>)
    %dma_wait3A_381 = arith.constant 448 : i32
    %dma_wait3A_382 = arith.constant 0 : i32
    %dma_wait3A_383 = tpu.memref_slice %arg6[%dma_wait3A_381, %dma_wait3A_382] : memref<512x128xf32, #tpu.memory_space<vmem>> -> memref<64x128xf32, #tpu.memory_space<vmem>>
    %dma_wait3A_384 = arith.constant 0 : i32
    %dma_wait3A_385 = arith.constant 0 : i32
    %dma_wait3A_386 = tpu.memref_slice %arg4[%add3A_268, %dma_wait3A_384, %dma_wait3A_385] : memref<256x64x128xf32, #tpu.memory_space<hbm>> -> memref<1x64x128xf32, #tpu.memory_space<hbm>>
    %dma_wait3A_387 = tpu.memref_squeeze %dma_wait3A_386 : memref<1x64x128xf32, #tpu.memory_space<hbm>> -> memref<64x128xf32, #tpu.memory_space<hbm>>
    %dma_wait3A_388 = arith.constant 0 : i32
    %dma_wait3A_389 = arith.constant 0 : i32
    %dma_wait3A_390 = tpu.memref_slice %arg4[%add3A_268, %dma_wait3A_388, %dma_wait3A_389] : memref<256x64x128xf32, #tpu.memory_space<hbm>> -> memref<1x64x128xf32, #tpu.memory_space<hbm>>
    %dma_wait3A_391 = tpu.memref_squeeze %dma_wait3A_390 : memref<1x64x128xf32, #tpu.memory_space<hbm>> -> memref<64x128xf32, #tpu.memory_space<hbm>>
    %dma_wait3A_392 = arith.constant 448 : i32
    %dma_wait3A_393 = arith.constant 0 : i32
    %dma_wait3A_394 = tpu.memref_slice %arg6[%dma_wait3A_392, %dma_wait3A_393] : memref<512x128xf32, #tpu.memory_space<vmem>> -> memref<64x128xf32, #tpu.memory_space<vmem>>
    tpu.wait_dma2 semaphore(%arg16 : memref<!tpu.dma_semaphore, #tpu.memory_space<semaphore_mem>>) src(%dma_wait3A_394 : memref<64x128xf32, #tpu.memory_space<vmem>>) dst(%dma_wait3A_391 : memref<64x128xf32, #tpu.memory_space<hbm>>)
    return
  }
}

</mosaic_0001>

<sc_bundles>
// kernel: kernel.3.cloned.1.call-start
scs
__scs_entry_jumppad:
0x0: {  	(pc) =	sbr.rel $0x88, $3  }
0x1: {  	(tag) =	ssettag $0x0;
	lr =	simm.s32 $0x1  }
0x2: {  	[smem:$0x3F9F] =	sst lr;
	_ =	strace $0xD0000000  }
0x3: {  	_ = 	snop  }
0x4: {  	_ = 	snop  }
0x5: {  	_ = 	snop  }
0x6: {  	_ = 	snop  }
0x7: {  	_ = 	snop  }
__scs_overlays_trampoline_lowered:
0x8: {  	[smem:$0x3FAE] =	sst s0  }
0x9: {  	[smem:$0x3FAF] =	sst s1  }
0xa: {  	[smem:$0x3FB0] =	sst s2  }
0xb: {  	[smem:$0x3FB1] =	sst s3  }
0xc: {  	[smem:$0x3FB2] =	sst s4  }
0xd: {  	[smem:$0x3FB3] =	sst s5  }
0xe: {  	[smem:$0x3FB4] =	sst s6  }
0xf: {  	[smem:$0x3FB5] =	sst s7  }
0x10: {  	[smem:$0x3FB6] =	sst s8  }
0x11: {  	[smem:$0x3FB7] =	sst s9;
	s0 =	simm.s32 @!p0 $0x0  }
0x12: {  	s1 =	sld [smem:$0x3F9D];
	s0 =	simm.s32 @p0 $0x1  }
0x13: {  	[smem:$0x3FB8] =	sst s0;
	s0 =	simm.s32 @!p1 $0x0  }
0x14: {  	s2 =	sld [smem:$0x3F9C];
	s0 =	simm.s32 @p1 $0x1  }
0x15: {  	[smem:$0x3FB9] =	sst s0;
	s0 =	simm.s32 @!p2 $0x0  }
0x16: {  	s3 =	sld [smem:$0x3FDB];
	s0 =	simm.s32 @p2 $0x1  }
0x17: {  	s4 =	simm.s32 $0x1BF5;
	[smem:$0x3FBB] =	sst s0  }
0x18: {  	s0 =	sld [smem:$0x3F9E];
	_ =	swait.ge [sflag:s4], $0x0  }
0x19: {  	s7 =	sld [smem:$0x3F9F]  }
0x1a: {  	s8 =	sadd.s32 $0xFFFFE003, lr  }
0x1b: {  	s9 =	sadd.s32 $0xFFFFFEF7, lr;
	s5 =	simm.s32 $0xFFFFFFFF;
	p2 =	slt.u32 s8, $0xFFFFF086  }
0x1c: {  	p1 =	slt.u32 s9, $0xF7A;
	s5 =	simm.s32 @!p2 $0x0  }
0x1d: {  	s5 =	simm.s32 @p1 $0x1;
	p0 =	seq.s32 s7, s2  }
0x1e: {  	s7 =	smul.u32 @!p0 $0xF7A, s2;
	p2 =	seq.s32 @!p0 s5, $0x0  }
0x1f: {  	s9 =	smul.u32 $0xF7A, s1;
	s8 =	simm.s32 @!p0 $0x1BF5;
	p2 =	por !p2, p0  }
0x20: {  	[sflag:s8] =	ssyncset.s32 @!p0 $0xFFFFF086;
	s6 =	sadd.s32 @!p0 s3, s7;
	s7 =	simm.s32 @!p0 $0x108  }
0x21: {  	s3 =	sadd.s32 s3, s9;
	s6 =	sadd.s32 @!p0 $0x88, s6;
	s7 =	simm.s32 @p2 $0x1082  }
0x22: {  	[simem:s7], [sflag:s8] =	dma.local @!p0 [hbm:s6], $0xF7A  }
0x23: {  	s9 =	sor.u32 $0xD0000000, s2;
	s6 =	simm.s32 $0x108;
	_ =	swait.ge @!p0 [sflag:s8], $0x0  }
0x24: {  	s3 =	sadd.s32 $0x88, s3;
	s6 =	simm.s32 @!p1 $0x1082;
	[sflag:s4] =	ssyncset.s32 $0xFFFFF086  }
0x25: {  	[simem:s6], [sflag:s4] =	dma.local [hbm:s3], $0xF7A  }
0x26: {  	[smem:$0x3F9F] =	sst s1;
	(tag) =	ssettag s2;
	_ =	strace s9  }
0x27: {  	s1 =	sld [smem:$0x3FAF]  }
0x28: {  	s2 =	sld [smem:$0x3FB0]  }
0x29: {  	s4 =	sld [smem:$0x3FB2]  }
0x2a: {  	p0 =	seq.s32 s5, $0x0;
	s5 =	sld [smem:$0x3FB3]  }
0x2b: {  	s6 =	sld [smem:$0x3FB4]  }
0x2c: {  	s7 =	sld [smem:$0x3FB5]  }
0x2d: {  	s3 =	simm.s32 $0x108;
	s8 =	sld [smem:$0x3FB6]  }
0x2e: {  	s3 =	simm.s32 @!p0 $0x1082;
	s9 =	sld [smem:$0x3FB7]  }
0x2f: {  	lr =	sadd.s32 s0, s3;
	s0 =	sld [smem:$0x3FAE]  }
0x30: {  	s3 =	sld [smem:$0x3FB1]  }
0x31: {  	[smem:$0x3FBA] =	sst s10  }
0x32: {  	s10 =	sld [smem:$0x3FB8];
	_ =	sdelay $0x3  }
0x33: {  	p0 =	seq.s32 s10, $0x1;
	s10 =	sld [smem:$0x3FBA];
	_ =	sdelay $0x3  }
0x34: {  	[smem:$0x3FBA] =	sst s10  }
0x35: {  	s10 =	sld [smem:$0x3FB9];
	_ =	sdelay $0x3  }
0x36: {  	p1 =	seq.s32 s10, $0x1;
	s10 =	sld [smem:$0x3FBA];
	_ =	sdelay $0x3  }
0x37: {  	[smem:$0x3FBA] =	sst s10  }
0x38: {  	s10 =	sld [smem:$0x3FBB]  }
0x39: {  	_ = 	snop;
	(pc) =	sbr.ind lr, $3  }
0x3a: {  	_ = 	snop  }
0x3b: {  	_ = 	snop  }
0x3c: {  	p2 =	seq.s32 s10, $0x1;
	s10 =	sld [smem:$0x3FBA]  }
0x3d: {  	_ =	shalt  }
0x3e: {  	_ =	shalt  }
0x3f: {  	_ =	shalt  }
0x40: {  	_ =	shalt  }
0x41: {  	_ =	shalt  }
0x42: {  	_ =	shalt  }
0x43: {  	_ =	shalt  }
0x44: {  	_ =	shalt  }
0x45: {  	_ =	shalt  }
0x46: {  	_ =	shalt  }
0x47: {  	_ =	shalt  }
0x48: {  	_ =	shalt  }
0x49: {  	_ =	shalt  }
0x4a: {  	_ =	shalt  }
0x4b: {  	_ =	shalt  }
0x4c: {  	_ =	shalt  }
0x4d: {  	_ =	shalt  }
0x4e: {  	_ =	shalt  }
0x4f: {  	_ =	shalt  }
0x50: {  	_ =	shalt  }
0x51: {  	_ =	shalt  }
0x52: {  	_ =	shalt  }
0x53: {  	_ =	shalt  }
0x54: {  	_ =	shalt  }
0x55: {  	_ =	shalt  }
0x56: {  	_ =	shalt  }
0x57: {  	_ =	shalt  }
0x58: {  	_ =	shalt  }
0x59: {  	_ =	shalt  }
0x5a: {  	_ =	shalt  }
0x5b: {  	_ =	shalt  }
0x5c: {  	_ =	shalt  }
0x5d: {  	_ =	shalt  }
0x5e: {  	_ =	shalt  }
0x5f: {  	_ =	shalt  }
0x60: {  	_ =	shalt  }
0x61: {  	_ =	shalt  }
0x62: {  	_ =	shalt  }
0x63: {  	_ =	shalt  }
0x64: {  	_ =	shalt  }
0x65: {  	_ =	shalt  }
0x66: {  	_ =	shalt  }
0x67: {  	_ =	shalt  }
0x68: {  	_ =	shalt  }
0x69: {  	_ =	shalt  }
0x6a: {  	_ =	shalt  }
0x6b: {  	_ =	shalt  }
0x6c: {  	_ =	shalt  }
0x6d: {  	_ =	shalt  }
0x6e: {  	_ =	shalt  }
0x6f: {  	_ =	shalt  }
0x70: {  	_ =	shalt  }
0x71: {  	_ =	shalt  }
0x72: {  	_ =	shalt  }
0x73: {  	_ =	shalt  }
0x74: {  	_ =	shalt  }
0x75: {  	_ =	shalt  }
0x76: {  	_ =	shalt  }
0x77: {  	_ =	shalt  }
0x78: {  	_ =	shalt  }
0x79: {  	_ =	shalt  }
0x7a: {  	_ =	shalt  }
0x7b: {  	_ =	shalt  }
0x7c: {  	_ =	shalt  }
0x7d: {  	_ =	shalt  }
0x7e: {  	_ =	shalt  }
0x7f: {  	_ =	shalt  }
0x80: {  	_ =	shalt  }
0x81: {  	_ =	shalt  }
0x82: {  	_ =	shalt  }
0x83: {  	_ =	shalt  }
0x84: {  	_ =	shalt  }
0x85: {  	_ =	shalt  }
0x86: {  	_ =	shalt  }
0x87: {  	_ =	shalt  }
.Lfunc_end0:
.L_simem_size_0:
called_computation_lowered:
.L_overlay_start_0:
0x88: {  	s2 =	sld [smem:$0x3FD9]  }
0x89: {  	s3 =	sld [smem:$0x3FFE];
	_ =	sdelay $0x1  }
0x8a: {  	s1 =	srdreg.scid  }
0x8b: {  	s0 =	sand.u32 $0x1, s1  }
0x8c: {  	s15 =	sshll.u32 s0, $0xA;
	s2 =	sadd.s32 s3, s2  }
0x8d: {  	s2 =	sadd.s32 s2, s15  }
0x8e: {  	[smem:$0x3FC6] =	sst s2  }
0x8f: {  	_ = 	snop  }
0x90: {  	s2 =	sld [smem:$0x3FD0];
	_ =	sdelay $0x1  }
0x91: {  	s16 =	sld [smem:$0x3FC9]  }
0x92: {  	s5 =	simm.s32 $0xA;
	s6 =	simm.s32 $0x10;
	s4 =	sld [smem:$0x3FC8]  }
0x93: {  	[smem:s6], [sflag:s5] =	dma.local [hbm:s2], $0x1  }
0x94: {  	_ =	swait.eq [sflag:s5], $0x1  }
0x95: {  	[sflag:s5] =	ssyncset.done $0x0  }
0x96: {  	[sflag:s5] =	ssyncadd.s32 $0xFFFFFFFF  }
0x97: {  	s17 =	sld [smem:$0x10];
	(tm) =	ssettm $0x1  }
0x98: {  	s18 =	sld [smem:$0x3FFB];
	_ =	sdelay $0x3  }
0x99: {  	_ =	strace s18  }
0x9a: {  	s5 =	sld [smem:$0x3FFC];
	_ =	sdelay $0x3  }
0x9b: {  	_ =	strace s5  }
0x9c: {  	s5 =	sld [smem:$0x3FFD];
	_ =	sdelay $0x3  }
0x9d: {  	_ =	strace s5  }
0x9e: {  	_ =	strace $0x8FFFFFFF  }
0x9f: {  	s19 =	sld [smem:$0x3FDB];
	_ =	sdelay $0x1  }
0xa0: {  	s20 =	simm.s32 $_scs_section_size  }
0xa1: {  	s7 =	simm.s32 $_size__tile_overlayer_lowered;
	s8 =	simm.s32 $_tile_overlayer_lowered  }
0xa2: {  	s23 =	simm.s32 $0x1BFF;
	s22 =	sshll.u32 s8, $0x1;
	s5 =	sadd.s32 s20, s19  }
0xa3: {  	s9 =	simm.s32 $0x0;
	s21 =	sshll.u32 s7, $0x1;
	s7 =	sadd.s32 s22, s5  }
0xa4: {  	[timem:s9], [sflag:s23] =	dma.local [hbm:s7], s21  }
0xa5: {  	_ =	swait.ge [sflag:s23], s21  }
0xa6: {  	s6 =	ssub.s32 $0x0, s21;
	[sflag:s23] =	ssyncset.done $0x0  }
0xa7: {  	[sflag:s23] =	ssyncadd.s32 s6;
	_ =	sdelay $0x1  }
0xa8: {  	s24 =	simm.s32 $0x1B8B  }
0xa9: {  	_ =	swait.ge [sflag:s24], $0x1  }
0xaa: {  	[sflag:s24] =	ssyncset.done $0x0  }
0xab: {  	s25 =	simm.s32 $0x1B8E;
	[sflag:s24] =	ssyncadd.s32 $0xFFFFFFFF  }
0xac: {  	s26 =	simm.s32 $execute0_lowered;
	[smem:$0x3FD2] =	sst s25  }
0xad: {  	s6 =	sshll.u32 s26, $0x1;
	_ =	strace $0x80000046;
	[dreg:$0x1] =	wrdreg $0xFFFFFFFF  }
0xae: {  	s28 =	simm.s32 $_size_execute0_lowered;
	s5 =	sadd.s32 s5, s6;
	[dreg:$0x0] =	wrdreg $0x0  }
0xaf: {  	s6 =	sshll.u32 s28, $0x1;
	[dreg:$0x2] =	wrdreg s5  }
0xb0: {  	[dreg:$0x3] =	wrdreg s6  }
0xb1: {  	[dreg:$0x4] =	wrdreg $0xC0  }
0xb2: {  	_ =	task [dreg:s9], $0x5FFFF  }
0xb3: {  	[dreg:$0x1] =	wrdreg $0xFFFFFFFF  }
0xb4: {  	[dreg:$0x0] =	wrdreg $0x60  }
0xb5: {  	[dreg:$0x2] =	wrdreg s16  }
0xb6: {  	[dreg:$0x3] =	wrdreg s4  }
0xb7: {  	[dreg:$0x4] =	wrdreg s17  }
0xb8: {  	[dreg:$0x5] =	wrdreg $0x102000  }
0xb9: {  	[dreg:$0x6] =	wrdreg $0x9  }
0xba: {  	_ =	task.clear_ibuf [dreg:s9], $0x7FFFF;
	_ =	strace $0x90000046  }
0xbb: {  	s29 =	simm.s32 $0x9;
	_ =	strace $0x80000048  }
0xbc: {  	_ =	swait.ge [sflag:s29], $0x1  }
0xbd: {  	[sflag:s29] =	ssyncadd.s32 $0xFFFFFFFF  }
0xbe: {  	_ =	strace $0x90000048  }
0xbf: {  	_ =	sfence  }
0xc0: {  	s30 =	sld [smem:$0x0];
	_ =	sdelay $0x2  }
0xc1: {  	s31 =	sshll.u32 s1, $0xD;
	s1 =	sshrl.u32 s1, $0x2  }
0xc2: {  	s3 =	sand.u32 $0x4000, s31;
	s1 =	sadd.s32 s1, s30  }
0xc3: {  	s0 =	sor.u32 s3, s0;
	s1 =	sshll.u32 s1, $0x11  }
0xc4: {  	s0 =	sor.u32 s1, s0  }
0xc5: {  	s0 =	sadd.s32 $0x8F2B, s0  }
0xc6: {  	[sflag:s0] =	ssyncadd.remote.s32 $0x1  }
0xc7: {  	_ =	sfence.sel $0xFFFF  }
0xc8: {  	[dreg:$0x0] =	wrdreg $0xFFFFFFFF;
	(pc) =	sbr.abs _section_cstart, $3  }
0xc9: {  	[dreg:$0x1] =	wrdreg $0xFFFFFFFF  }
0xca: {  	_ =	task.clear_ibuf [dreg:s9], $0x2FFFF;
	_ =	strace $0x9FFFFFFF  }
0xcb: {  	(tm) =	ssettm $0x7FFFFFFF  }
tec
execute0_lowered:
.L_overlay_start_1:
0x0: {  	(tag) =	ssettag $0x1  }
0x1: {  	s4 =	rddreg [dreg:$0x0]  }
0x2: {  	s5 =	rddreg [dreg:$0x1]  }
0x3: {  	s6 =	rddreg [dreg:$0x2];
	s1 =	srdreg.scid  }
0x4: {  	s0 =	stileid.u32;
	s2 =	rddreg [dreg:$0x3]  }
0x5: {  	s3 =	simm.s32 $0x0;
	s25 =	simm.s32 $0x80;
	s1 =	sand.u32 $0x1, s1  }
0x6: {  	s7 =	sshll.u32 s0, $0x1;
	[smem:$0x7FF] =	sst s3;
	s15 =	sadd.s32 $0x600, s5  }
0x7: {  	s16 =	sshll.u32 s0, $0x7;
	_ =	strace $0x80000047;
	[dreg:$0x6] =	wrdreg s15  }
0x8: {  	s7 =	sor.u32 s1, s7;
	s5 =	sadd.s32 s5, s16;
	[dreg:$0x12] =	wrdreg s25  }
0x9: {  	s8 =	sshll.u32 s7, $0x6;
	[dreg:$0x7] =	wrdreg s5  }
0xa: {  	s7 =	sshll.u32 s7, $0xD;
	s9 =	rddreg [dreg:$0x6];
	s4 =	sadd.s32 s4, s8  }
0xb: {  	[dreg:$0x5] =	wrdreg s4;
	s4 =	sadd.s32 s6, s7  }
0xc: {  	s17 =	sadd.s32 $0x400, s4;
	s26 =	rddreg [dreg:$0x5]  }
0xd: {  	s18 =	sadd.s32 $0x800, s4;
	[dreg:$0x8] =	wrdreg s17  }
0xe: {  	s19 =	sadd.s32 $0xC00, s4;
	[dreg:$0x9] =	wrdreg s18  }
0xf: {  	p0 =	sgt.u32 s0, $0xB;
	s21 =	sadd.s32 $0x1000, s4;
	[dreg:$0xa] =	wrdreg s19  }
0x10: {  	p1 =	sne.s32 @p0 s0, $0xC;
	s22 =	sadd.s32 $0x1400, s4;
	[dreg:$0xb] =	wrdreg s21  }
0x11: {  	p1 =	por p1, !p0;
	s23 =	sadd.s32 $0x1800, s4;
	[dreg:$0xc] =	wrdreg s22  }
0x12: {  	s6 =	sadd.s32 $0x3000, s2;
	s24 =	sadd.s32 $0x1C00, s4;
	[dreg:$0xd] =	wrdreg s23  }
0x13: {  	s20 =	sshll.u32 s0, $0xA;
	s5 =	sshrl.u32 @!p1 s6, $0x3;
	[dreg:$0xe] =	wrdreg s24  }
0x14: {  	s6 =	sshll.u32 @!p0 s0, $0x6;
	s0 =	simm.s32 $0xC0;
	[dreg:$0xf] =	wrdreg s5  }
0x15: {  	s5 =	sor.u32 @!p0 $0x1C0B, s6;
	[dreg:$0x13] =	wrdreg s0  }
0x16: {  	[tilespmem:s3], [sflag:$0xA] =	stream.linear.gather [hbm4b:s26+s3], $0x200, $0x38;
	[tilespmem:$0x10528] =	vst v63  }
0x17: {  	s7 =	sadd.s32 s20, s2;
	[dreg:$0x10] =	wrdreg s5  }
0x18: {  	s5 =	sshrl.u32 @!p0 s7, $0x3;
	s7 =	rddreg [dreg:$0xf]  }
0x19: {  	s0 =	simm.s32 @!p1 $0x1F0B;
	s6 =	simm.s32 @!p1 $0xB;
	[dreg:$0x11] =	wrdreg s5  }
0x1a: {  	[spmem:s7], [sflag:s0] =	dma.local @!p1 [hbm:s9], $0x50  }
0x1b: {  	_ =	swait.ge @!p1 [sflag:s6], $0x50  }
0x1c: {  	s8 =	rddreg [dreg:$0x11]  }
0x1d: {  	s9 =	rddreg [dreg:$0x7];
	[sflag:s6] =	ssyncset.done @!p1 $0x0  }
0x1e: {  	s7 =	simm.s32 @!p0 $0xB;
	s10 =	rddreg [dreg:$0x10];
	[sflag:s6] =	ssyncadd.s32 @!p1 $0xFFFFFFB0  }
0x1f: {  	[spmem:s8], [sflag:s10] =	dma.local @!p0 [hbm:s9], $0x80  }
0x20: {  	_ =	swait.ge @!p0 [sflag:s7], $0x80  }
0x21: {  	[sflag:s7] =	ssyncset.done @!p0 $0x0  }
0x22: {  	[sflag:s7] =	ssyncadd.s32 @!p0 $0xFFFFFF80  }
0x23: {  	s8 =	simm.s32 $0xA;
	[bflag:$0x0] =	sbarrier.arrive $0xFFFF  }
0x24: {  	_ =	swait.ge [sflag:s8], $0x200  }
0x25: {  	[sflag:s8] =	ssyncset.done $0x0  }
0x26: {  	s9 =	simm.s32 $0x40;
	s10 =	simm.s32 $0x200;
	[sflag:s8] =	ssyncadd.s32 $0xFFFFFE00  }
0x27: {  	[tilespmem:s10], [sflag:$0x1] =	stream.indirect.gather [spmem:s2], $0x80, s3, s9, $0xb8;
	[tilespmem:$0x10528] =	vst v63  }
0x28: {  	s11 =	simm.s32 $0x2200  }
0x29: {  	[tilespmem:s11], [sflag:$0x2] =	stream.indirect.gather [spmem:s2], $0x80, s9, s9, $0xb8;
	[tilespmem:$0x10528] =	vst v63  }
0x2a: {  	s12 =	simm.s32 $0x4200;
	s13 =	rddreg [dreg:$0x12]  }
0x2b: {  	[tilespmem:s12], [sflag:$0x3] =	stream.indirect.gather [spmem:s2], $0x80, s13, s9, $0xb8;
	[tilespmem:$0x10528] =	vst v63  }
0x2c: {  	s14 =	rddreg [dreg:$0x13];
	s13 =	simm.s32 $0x6200  }
0x2d: {  	[tilespmem:s13], [sflag:$0x4] =	stream.indirect.gather [spmem:s2], $0x80, s14, s9, $0xb8;
	[tilespmem:$0x10528] =	vst v63  }
0x2e: {  	s15 =	simm.s32 $0x8200;
	s5 =	simm.s32 $0x100  }
0x2f: {  	[tilespmem:s15], [sflag:$0x5] =	stream.indirect.gather [spmem:s2], $0x80, s5, s9, $0xb8;
	[tilespmem:$0x10528] =	vst v63  }
0x30: {  	s16 =	simm.s32 $0x140;
	s17 =	simm.s32 $0xA200  }
0x31: {  	[tilespmem:s17], [sflag:$0x6] =	stream.indirect.gather [spmem:s2], $0x80, s16, s9, $0xb8;
	[tilespmem:$0x10528] =	vst v63  }
0x32: {  	s18 =	simm.s32 $0x180;
	s19 =	simm.s32 $0xC200  }
0x33: {  	[tilespmem:s19], [sflag:$0x7] =	stream.indirect.gather [spmem:s2], $0x80, s18, s9, $0xb8;
	[tilespmem:$0x10528] =	vst v63  }
0x34: {  	s20 =	simm.s32 $0x1C0;
	s21 =	simm.s32 $0xE200;
	s22 =	simm.s32 $0x1  }
0x35: {  	[tilespmem:s21], [sflag:$0x8] =	stream.indirect.gather [spmem:s2], $0x80, s20, s9, $0xb8;
	[tilespmem:$0x10528] =	vst v63  }
0x36: {  	_ =	swait.ge [sflag:s22], $0x2000  }
0x37: {  	[sflag:s22] =	ssyncset.done $0x0  }
0x38: {  	s23 =	simm.s32 $0x2;
	[sflag:s22] =	ssyncadd.s32 $0xFFFFE000  }
0x39: {  	[hbm4b:s4+s3] =	stream.linear.scatter [tilespmem:s10], [sflag:$0x9], $0x2000, $0x38;
	[tilespmem:$0x10528] =	vst v63  }
0x3a: {  	_ =	swait.ge [sflag:s23], $0x2000  }
0x3b: {  	[sflag:s23] =	ssyncset.done $0x0  }
0x3c: {  	s24 =	rddreg [dreg:$0x8];
	[sflag:s23] =	ssyncadd.s32 $0xFFFFE000  }
0x3d: {  	[hbm4b:s24+s3] =	stream.linear.scatter [tilespmem:s11], [sflag:$0x9], $0x2000, $0x38;
	[tilespmem:$0x10528] =	vst v63  }
0x3e: {  	s24 =	simm.s32 $0x3  }
0x3f: {  	_ =	swait.ge [sflag:s24], $0x2000  }
0x40: {  	[sflag:s24] =	ssyncset.done $0x0  }
0x41: {  	s25 =	rddreg [dreg:$0x9];
	[sflag:s24] =	ssyncadd.s32 $0xFFFFE000  }
0x42: {  	[hbm4b:s25+s3] =	stream.linear.scatter [tilespmem:s12], [sflag:$0x9], $0x2000, $0x38;
	[tilespmem:$0x10528] =	vst v63  }
0x43: {  	s25 =	simm.s32 $0x4  }
0x44: {  	_ =	swait.ge [sflag:s25], $0x2000  }
0x45: {  	[sflag:s25] =	ssyncset.done $0x0  }
0x46: {  	s26 =	rddreg [dreg:$0xa];
	[sflag:s25] =	ssyncadd.s32 $0xFFFFE000  }
0x47: {  	[hbm4b:s26+s3] =	stream.linear.scatter [tilespmem:s13], [sflag:$0x9], $0x2000, $0x38;
	[tilespmem:$0x10528] =	vst v63  }
0x48: {  	s26 =	simm.s32 $0x5  }
0x49: {  	_ =	swait.ge [sflag:s26], $0x2000  }
0x4a: {  	[sflag:s26] =	ssyncset.done $0x0  }
0x4b: {  	s28 =	rddreg [dreg:$0xb];
	[sflag:s26] =	ssyncadd.s32 $0xFFFFE000  }
0x4c: {  	[hbm4b:s28+s3] =	stream.linear.scatter [tilespmem:s15], [sflag:$0x9], $0x2000, $0x38;
	[tilespmem:$0x10528] =	vst v63  }
0x4d: {  	s28 =	simm.s32 $0x6  }
0x4e: {  	_ =	swait.ge [sflag:s28], $0x2000  }
0x4f: {  	[sflag:s28] =	ssyncset.done $0x0  }
0x50: {  	s29 =	rddreg [dreg:$0xc];
	[sflag:s28] =	ssyncadd.s32 $0xFFFFE000  }
0x51: {  	[hbm4b:s29+s3] =	stream.linear.scatter [tilespmem:s17], [sflag:$0x9], $0x2000, $0x38;
	[tilespmem:$0x10528] =	vst v63  }
0x52: {  	s29 =	simm.s32 $0x7  }
0x53: {  	_ =	swait.ge [sflag:s29], $0x2000  }
0x54: {  	[sflag:s29] =	ssyncset.done $0x0  }
0x55: {  	s30 =	rddreg [dreg:$0xd];
	[sflag:s29] =	ssyncadd.s32 $0xFFFFE000  }
0x56: {  	[hbm4b:s30+s3] =	stream.linear.scatter [tilespmem:s19], [sflag:$0x9], $0x2000, $0x38;
	[tilespmem:$0x10528] =	vst v63  }
0x57: {  	s30 =	simm.s32 $0x8  }
0x58: {  	_ =	swait.ge [sflag:s30], $0x2000  }
0x59: {  	[sflag:s30] =	ssyncset.done $0x0  }
0x5a: {  	s31 =	rddreg [dreg:$0xe];
	[sflag:s30] =	ssyncadd.s32 $0xFFFFE000  }
0x5b: {  	[hbm4b:s31+s3] =	stream.linear.scatter [tilespmem:s21], [sflag:$0x9], $0x2000, $0x38;
	[tilespmem:$0x10528] =	vst v63  }
0x5c: {  	s31 =	simm.s32 $0x9  }
0x5d: {  	_ =	swait.ge [sflag:s31], $0x2000  }
0x5e: {  	[sflag:s31] =	ssyncset.done $0x0  }
0x5f: {  	[sflag:s31] =	ssyncadd.s32 $0xFFFFE000  }
0x60: {  	_ =	swait.ge [sflag:s31], $0x2000  }
0x61: {  	[sflag:s31] =	ssyncset.done $0x0  }
0x62: {  	[sflag:s31] =	ssyncadd.s32 $0xFFFFE000  }
0x63: {  	_ =	swait.ge [sflag:s31], $0x2000  }
0x64: {  	[sflag:s31] =	ssyncset.done $0x0  }
0x65: {  	[sflag:s31] =	ssyncadd.s32 $0xFFFFE000  }
0x66: {  	_ =	swait.ge [sflag:s31], $0x2000  }
0x67: {  	s1 =	ssub.s32 $0x2, s1;
	[sflag:s31] =	ssyncset.done $0x0  }
0x68: {  	s14 =	sshrl.u32 s1, $0x1;
	[sflag:s31] =	ssyncadd.s32 $0xFFFFE000  }
0x69: {  	s0 =	ssub.s32 s1, s14;
	_ =	swait.ge [sflag:s31], $0x2000  }
0x6a: {  	s0 =	smax.u32 s0, $0x1;
	[sflag:s31] =	ssyncset.done $0x0  }
0x6b: {  	s1 =	sadd.s32 $0xFFFFFFFF, s0;
	[sflag:s31] =	ssyncadd.s32 $0xFFFFE000  }
0x6c: {  	p2 =	sne.s32 s1, $0x0;
	_ =	swait.ge [sflag:s31], $0x2000  }
.Ltmp0:
0x6d: {  	[sflag:s31] =	ssyncset.done $0x0;
	(pc) =	sbr.rel @!p2 .LBB2_2-.Ltmp0, $4  }
0x6e: {  	[sflag:s31] =	ssyncadd.s32 $0xFFFFE000  }
0x6f: {  	_ =	swait.ge [sflag:s31], $0x2000  }
0x70: {  	[sflag:s31] =	ssyncset.done $0x0  }
0x71: {  	[sflag:s31] =	ssyncadd.s32 $0xFFFFE000  }
.LBB2_1:
0x72: {  	_ =	swait.ge [sflag:s31], $0x2000  }
0x73: {  	s0 =	rddreg [dreg:$0xf];
	[sflag:s31] =	ssyncset.done $0x0  }
0x74: {  	s5 =	rddreg [dreg:$0x5];
	[sflag:s31] =	ssyncadd.s32 $0xFFFFE000  }
0x75: {  	[tilespmem:s3], [sflag:$0xA] =	stream.linear.gather [hbm4b:s5+s3], $0x200, $0x38;
	[tilespmem:$0x10528] =	vst v63  }
0x76: {  	s14 =	rddreg [dreg:$0x6];
	s5 =	simm.s32 @!p1 $0x1F0B  }
0x77: {  	[spmem:s0], [sflag:s5] =	dma.local @!p1 [hbm:s14], $0x50  }
0x78: {  	_ =	swait.ge @!p1 [sflag:s6], $0x50  }
0x79: {  	s0 =	rddreg [dreg:$0x11]  }
0x7a: {  	[sflag:s6] =	ssyncset.done @!p1 $0x0;
	s5 =	rddreg [dreg:$0x7]  }
0x7b: {  	s14 =	rddreg [dreg:$0x10];
	[sflag:s6] =	ssyncadd.s32 @!p1 $0xFFFFFFB0  }
0x7c: {  	[spmem:s0], [sflag:s14] =	dma.local @!p0 [hbm:s5], $0x80  }
0x7d: {  	_ =	swait.ge @!p0 [sflag:s7], $0x80  }
0x7e: {  	[sflag:s7] =	ssyncset.done @!p0 $0x0  }
0x7f: {  	[sflag:s7] =	ssyncadd.s32 @!p0 $0xFFFFFF80  }
0x80: {  	[bflag:$0x0] =	sbarrier.arrive $0xFFFF  }
0x81: {  	_ =	swait.ge [sflag:s8], $0x200  }
0x82: {  	[sflag:s8] =	ssyncset.done $0x0  }
0x83: {  	[sflag:s8] =	ssyncadd.s32 $0xFFFFFE00  }
0x84: {  	[tilespmem:s10], [sflag:$0x1] =	stream.indirect.gather [spmem:s2], $0x80, s3, s9, $0xb8;
	[tilespmem:$0x10528] =	vst v63  }
0x85: {  	_ = 	snop  }
0x86: {  	[tilespmem:s11], [sflag:$0x2] =	stream.indirect.gather [spmem:s2], $0x80, s9, s9, $0xb8;
	[tilespmem:$0x10528] =	vst v63  }
0x87: {  	s5 =	rddreg [dreg:$0x12]  }
0x88: {  	[tilespmem:s12], [sflag:$0x3] =	stream.indirect.gather [spmem:s2], $0x80, s5, s9, $0xb8;
	[tilespmem:$0x10528] =	vst v63  }
0x89: {  	s14 =	rddreg [dreg:$0x13]  }
0x8a: {  	[tilespmem:s13], [sflag:$0x4] =	stream.indirect.gather [spmem:s2], $0x80, s14, s9, $0xb8;
	[tilespmem:$0x10528] =	vst v63  }
0x8b: {  	s5 =	simm.s32 $0x100  }
0x8c: {  	[tilespmem:s15], [sflag:$0x5] =	stream.indirect.gather [spmem:s2], $0x80, s5, s9, $0xb8;
	[tilespmem:$0x10528] =	vst v63  }
0x8d: {  	_ = 	snop  }
0x8e: {  	[tilespmem:s17], [sflag:$0x6] =	stream.indirect.gather [spmem:s2], $0x80, s16, s9, $0xb8;
	[tilespmem:$0x10528] =	vst v63  }
0x8f: {  	_ = 	snop  }
0x90: {  	[tilespmem:s19], [sflag:$0x7] =	stream.indirect.gather [spmem:s2], $0x80, s18, s9, $0xb8;
	[tilespmem:$0x10528] =	vst v63  }
0x91: {  	_ = 	snop  }
0x92: {  	[tilespmem:s21], [sflag:$0x8] =	stream.indirect.gather [spmem:s2], $0x80, s20, s9, $0xb8;
	[tilespmem:$0x10528] =	vst v63  }
0x93: {  	_ =	swait.ge [sflag:s22], $0x2000  }
0x94: {  	[sflag:s22] =	ssyncset.done $0x0  }
0x95: {  	[sflag:s22] =	ssyncadd.s32 $0xFFFFE000  }
0x96: {  	[hbm4b:s4+s3] =	stream.linear.scatter [tilespmem:s10], [sflag:$0x9], $0x2000, $0x38;
	[tilespmem:$0x10528] =	vst v63  }
0x97: {  	_ =	swait.ge [sflag:s23], $0x2000  }
0x98: {  	[sflag:s23] =	ssyncset.done $0x0  }
0x99: {  	s14 =	rddreg [dreg:$0x8];
	[sflag:s23] =	ssyncadd.s32 $0xFFFFE000  }
0x9a: {  	[hbm4b:s14+s3] =	stream.linear.scatter [tilespmem:s11], [sflag:$0x9], $0x2000, $0x38;
	[tilespmem:$0x10528] =	vst v63  }
0x9b: {  	_ =	swait.ge [sflag:s24], $0x2000  }
0x9c: {  	[sflag:s24] =	ssyncset.done $0x0  }
0x9d: {  	s5 =	rddreg [dreg:$0x9];
	[sflag:s24] =	ssyncadd.s32 $0xFFFFE000  }
0x9e: {  	[hbm4b:s5+s3] =	stream.linear.scatter [tilespmem:s12], [sflag:$0x9], $0x2000, $0x38;
	[tilespmem:$0x10528] =	vst v63  }
0x9f: {  	_ =	swait.ge [sflag:s25], $0x2000  }
0xa0: {  	[sflag:s25] =	ssyncset.done $0x0  }
0xa1: {  	s14 =	rddreg [dreg:$0xa];
	[sflag:s25] =	ssyncadd.s32 $0xFFFFE000  }
0xa2: {  	[hbm4b:s14+s3] =	stream.linear.scatter [tilespmem:s13], [sflag:$0x9], $0x2000, $0x38;
	[tilespmem:$0x10528] =	vst v63  }
0xa3: {  	_ =	swait.ge [sflag:s26], $0x2000  }
0xa4: {  	[sflag:s26] =	ssyncset.done $0x0  }
0xa5: {  	s5 =	rddreg [dreg:$0xb];
	[sflag:s26] =	ssyncadd.s32 $0xFFFFE000  }
0xa6: {  	[hbm4b:s5+s3] =	stream.linear.scatter [tilespmem:s15], [sflag:$0x9], $0x2000, $0x38;
	[tilespmem:$0x10528] =	vst v63  }
0xa7: {  	_ =	swait.ge [sflag:s28], $0x2000  }
0xa8: {  	[sflag:s28] =	ssyncset.done $0x0  }
0xa9: {  	s14 =	rddreg [dreg:$0xc];
	[sflag:s28] =	ssyncadd.s32 $0xFFFFE000  }
0xaa: {  	[hbm4b:s14+s3] =	stream.linear.scatter [tilespmem:s17], [sflag:$0x9], $0x2000, $0x38;
	[tilespmem:$0x10528] =	vst v63  }
0xab: {  	_ =	swait.ge [sflag:s29], $0x2000  }
0xac: {  	[sflag:s29] =	ssyncset.done $0x0  }
0xad: {  	s5 =	rddreg [dreg:$0xd];
	[sflag:s29] =	ssyncadd.s32 $0xFFFFE000  }
0xae: {  	[hbm4b:s5+s3] =	stream.linear.scatter [tilespmem:s19], [sflag:$0x9], $0x2000, $0x38;
	[tilespmem:$0x10528] =	vst v63  }
0xaf: {  	_ =	swait.ge [sflag:s30], $0x2000  }
0xb0: {  	[sflag:s30] =	ssyncset.done $0x0  }
0xb1: {  	s14 =	rddreg [dreg:$0xe];
	[sflag:s30] =	ssyncadd.s32 $0xFFFFE000  }
0xb2: {  	[hbm4b:s14+s3] =	stream.linear.scatter [tilespmem:s21], [sflag:$0x9], $0x2000, $0x38;
	[tilespmem:$0x10528] =	vst v63  }
0xb3: {  	_ =	swait.ge [sflag:s31], $0x2000  }
0xb4: {  	[sflag:s31] =	ssyncset.done $0x0  }
0xb5: {  	[sflag:s31] =	ssyncadd.s32 $0xFFFFE000  }
0xb6: {  	_ =	swait.ge [sflag:s31], $0x2000  }
0xb7: {  	[sflag:s31] =	ssyncset.done $0x0  }
0xb8: {  	[sflag:s31] =	ssyncadd.s32 $0xFFFFE000  }
0xb9: {  	_ =	swait.ge [sflag:s31], $0x2000  }
0xba: {  	[sflag:s31] =	ssyncset.done $0x0  }
0xbb: {  	[sflag:s31] =	ssyncadd.s32 $0xFFFFE000  }
0xbc: {  	_ =	swait.ge [sflag:s31], $0x2000  }
0xbd: {  	[sflag:s31] =	ssyncset.done $0x0  }
0xbe: {  	[sflag:s31] =	ssyncadd.s32 $0xFFFFE000  }
0xbf: {  	_ =	swait.ge [sflag:s31], $0x2000  }
0xc0: {  	[sflag:s31] =	ssyncset.done $0x0  }
0xc1: {  	s1 =	sadd.s32 $0xFFFFFFFF, s1;
	[sflag:s31] =	ssyncadd.s32 $0xFFFFE000  }
0xc2: {  	p2 =	sne.s32 s1, $0x0;
	_ =	swait.ge [sflag:s31], $0x2000  }
.Ltmp1:
0xc3: {  	[sflag:s31] =	ssyncset.done $0x0;
	(pc) =	sbr.rel @p2 .LBB2_1-.Ltmp1, $4  }
0xc4: {  	[sflag:s31] =	ssyncadd.s32 $0xFFFFE000  }
0xc5: {  	_ =	swait.ge [sflag:s31], $0x2000  }
0xc6: {  	[sflag:s31] =	ssyncset.done $0x0  }
0xc7: {  	[sflag:s31] =	ssyncadd.s32 $0xFFFFE000  }
.LBB2_2:
0xc8: {  	_ =	swait.ge [sflag:s31], $0x2000  }
0xc9: {  	[sflag:s31] =	ssyncset.done $0x0  }
0xca: {  	[sflag:s31] =	ssyncadd.s32 $0xFFFFE000  }
0xcb: {  	_ =	sfence.sel $0x180000  }
0xcc: {  	[bflag:$0x0] =	sbarrier.arrive $0xFFFF  }
0xcd: {  	_ =	strace $0x90000047  }
0xce: {  	s0 =	stileid.u32;
	[bflag:$0x2] =	sbarrier.arrive $0xFFFF  }
0xcf: {  	p0 =	sne.s32 s0, $0x0;
	s0 =	rddreg [dreg:$0x4]  }
0xd0: {  	s0 =	sadd.s32 @!p0 $0x100000, s0  }
0xd1: {  	[sflag:s0] =	ssyncadd.tile.s32 @!p0 $0x1;
	_ =	shalt  }
.Lfunc_end2:
_tile_overlayer_lowered:
.L_overlay_start_2:
0xd2: {  	(tag) =	ssettag $0x2  }
0xd3: {  	s0 =	rddreg [dreg:$0x0];
	s2 =	stileid.u32  }
0xd4: {  	s1 =	rddreg [dreg:$0x1];
	p0 =	sne.s32 s2, $0x0  }
0xd5: {  	s3 =	rddreg [dreg:$0x2];
	[bflag:$0x3] =	sbarrier.arrive $0xFFFF;
	s2 =	simm.s32 @!p0 $0x1C0B  }
0xd6: {  	[timem:s3], [sflag:s2] =	dma.local @!p0 [hbm:s0], s1  }
0xd7: {  	s0 =	simm.s32 @!p0 $0xB  }
0xd8: {  	_ =	swait.ge @!p0 [sflag:s0], s1  }
0xd9: {  	s1 =	ssub.s32 @!p0 $0x0, s1;
	[sflag:s0] =	ssyncset.done @!p0 $0x0  }
0xda: {  	[sflag:s0] =	ssyncadd.s32 @!p0 s1  }
0xdb: {  	[bflag:$0x3] =	sbarrier.arrive $0xFFFF  }
0xdc: {  	_ =	shalt  }

</sc_bundles>
